<compile_context>
chip_gen: v7x
topology: tpu7x:2x2x1
jax: 0.10.2.dev20260603
libtpu: 0.0.44.dev20260713+nightly
codegen_flags: <defaults>
</compile_context>

<pallas_src>
import jax
import jax.numpy as jnp
from jax import lax
from jax.experimental import pallas as pl
from jax.experimental.pallas import tpu as pltpu
from jax.experimental.pallas import tpu_sc as plsc

NODES = 26
P = 32
IN_DIM = 128
H0 = 48
H1 = 60
G = 8
GP = G * P

NW = 32
XCHUNK = 16


def _sc_gather(gx_hbm, kt_hbm, idx_hbm, outx_hbm, outk_hbm,
               idx_v, xstage, kstage, sem):
    wid = lax.axis_index("s") * 2 + lax.axis_index("c")
    nrow = idx_v.shape[0]
    base = wid * nrow
    pltpu.sync_copy(idx_hbm.at[pl.ds(base, nrow)], idx_v)
    for c in range(nrow):
        pltpu.async_copy(kt_hbm.at[idx_v.at[c]], kstage, sem).wait()
        pltpu.sync_copy(
            kstage, outk_hbm.at[pl.ds((base + c) * XCHUNK, XCHUNK)])
    for c in range(nrow):
        pltpu.async_copy(gx_hbm.at[idx_v.at[c]], xstage, sem).wait()
        pltpu.sync_copy(
            xstage, outx_hbm.at[pl.ds((base + c) * XCHUNK, XCHUNK)])


def _sc_gather_call(graph_x, kernel_t, indices):
    B = indices.shape[0]
    idx2d = indices.astype(jnp.int32).reshape(B // XCHUNK, XCHUNK)
    nrow = (B // XCHUNK) // NW
    mesh = plsc.VectorSubcoreMesh(core_axis_name="c", subcore_axis_name="s")
    call = pl.kernel(
        _sc_gather, mesh=mesh,
        compiler_params=pltpu.CompilerParams(use_tc_tiling_on_sc=False),
        out_type=[
            jax.ShapeDtypeStruct((B, NODES, IN_DIM), jnp.float32),
            jax.ShapeDtypeStruct((B, NODES, NODES), jnp.float32),
        ],
        scratch_types=[
            pltpu.VMEM((nrow, XCHUNK), jnp.int32),
            pltpu.VMEM((XCHUNK, NODES, IN_DIM), jnp.float32),
            pltpu.VMEM((XCHUNK, NODES, NODES), jnp.float32),
            pltpu.SemaphoreType.DMA,
        ],
    )
    return call(graph_x, kernel_t, idx2d)


def _tc_kernel(x_ref, k_ref, w0_ref, w1_ref, wlin_ref, out_ref,
               kbd, m1s, dall, asel):
    @pl.when(pl.program_id(0) == 0)
    def _init():
        kbd[...] = jnp.zeros((GP, GP), jnp.float32)
        m1s[...] = jnp.zeros((GP, H0), jnp.float32)
        dall[...] = jnp.zeros((GP, 1), jnp.float32)
        asel[...] = jnp.zeros((G, GP), jnp.float32)

    for g in range(G):
        k = k_ref[g]
        dinv_r = jax.lax.rsqrt(jnp.sum(k, axis=1, keepdims=True))
        dinv_c = jax.lax.rsqrt(jnp.sum(k, axis=0, keepdims=True))
        m1 = jnp.dot(x_ref[g], w0_ref[...], preferred_element_type=jnp.float32)
        m1s[g * P:g * P + NODES, :] = dinv_r * m1
        dall[g * P:g * P + NODES, :] = dinv_r
        kbd[g * P:g * P + NODES, g * P:g * P + NODES] = k
        asel[g:g + 1, g * P:g * P + NODES] = k[0:1, :] * dinv_c * dinv_r[0:1, :]

    d = dall[...]
    hag = jnp.dot(kbd[...], m1s[...], preferred_element_type=jnp.float32,
                  precision=jax.lax.Precision.HIGHEST)
    h = jnp.maximum(hag * d, 0.0)
    m2 = jnp.dot(h, w1_ref[...], preferred_element_type=jnp.float32)
    w2 = jnp.dot(asel[...], m2, preferred_element_type=jnp.float32,
                 precision=jax.lax.Precision.HIGHEST)
    z = jnp.maximum(w2, 0.0)
    p = jnp.maximum(jnp.dot(z, wlin_ref[...],
                            preferred_element_type=jnp.float32), 0.0)
    out_ref[...] = p.reshape(G, 1, 1)


def kernel(indices, graph_x, kernel, W0, W1, Wlin):
    B = indices.shape[0]
    xg, kg = _sc_gather_call(graph_x, kernel, indices)
    out = pl.pallas_call(
        _tc_kernel,
        grid=(B // G,),
        in_specs=[
            pl.BlockSpec((G, NODES, IN_DIM), lambda i: (i, 0, 0)),
            pl.BlockSpec((G, NODES, NODES), lambda i: (i, 0, 0)),
            pl.BlockSpec((IN_DIM, H0), lambda i: (0, 0)),
            pl.BlockSpec((H0, H1), lambda i: (0, 0)),
            pl.BlockSpec((H1, 1), lambda i: (0, 0)),
        ],
        out_specs=pl.BlockSpec((G, 1, 1), lambda i: (i, 0, 0)),
        scratch_shapes=[
            pltpu.VMEM((GP, GP), jnp.float32),
            pltpu.VMEM((GP, H0), jnp.float32),
            pltpu.VMEM((GP, 1), jnp.float32),
            pltpu.VMEM((G, GP), jnp.float32),
        ],
        out_shape=jax.ShapeDtypeStruct((B, 1, 1), jnp.float32),
    )(xg, kg, W0, W1, Wlin)
    return out.reshape(B, 1)

# --- scband reference (transcript-rebuilt; emitter-appended) ---
"""Pipeline reference for scband-kcn-32461362823678 (READ-ONLY COPY).

The authoritative reference and input builder live on the scoring server;
editing this copy changes nothing except your own understanding.
"""

import jax, jax.numpy as jnp
import numpy as np

N_DATA = 4096
N_NEIGH = 25
NODES = N_NEIGH + 1
D_FEAT = 126
IN_DIM = D_FEAT + 2
H0, H1 = 48, 60
OUT_DIM = 1
BATCH = 1024


def _build_graphs(seed=0):
    # Mirrors KCN.__init__: KNN over coords, RBF kernel ego-graphs, node feats = [features, y(center masked to 0), indicator]
    rng = np.random.RandomState(seed)
    coords = rng.randn(N_DATA, 2).astype(np.float32)
    feats = rng.randn(N_DATA, D_FEAT).astype(np.float32)
    y = rng.randn(N_DATA, OUT_DIM).astype(np.float32)
    sq = (coords ** 2).sum(-1)
    d2 = sq[:, None] + sq[None, :] - 2.0 * (coords @ coords.T)
    d2 = np.maximum(d2, 0.0)
    np.fill_diagonal(d2, np.inf)
    nbrs = np.argpartition(d2, N_NEIGH, axis=1)[:, :N_NEIGH]
    nd = np.take_along_axis(d2, nbrs, axis=1)
    order = np.argsort(nd, axis=1)
    nbrs = np.take_along_axis(nbrs, order, axis=1)
    dists = np.sqrt(np.take_along_axis(d2, nbrs, axis=1))
    length_scale = float(np.median(dists.flatten()))
    gamma = 1.0 / (2.0 * length_scale ** 2)
    idx_full = np.concatenate([np.arange(N_DATA)[:, None], nbrs], axis=1)  # [N, 26] center first
    gf = feats[idx_full]                              # [N, 26, 126]
    gy = y[idx_full].copy()                           # [N, 26, 1]
    gy[:, 0, :] = 0.0                                 # center label zeroed
    ind = np.zeros((N_DATA, NODES, 1), np.float32)
    ind[:, 0, 0] = 1.0
    graph_x = np.concatenate([gf, gy, ind], axis=-1).astype(np.float32)  # [N, 26, 128]
    gc = coords[idx_full]                             # [N, 26, 2]
    diff2 = ((gc[:, :, None, :] - gc[:, None, :, :]) ** 2).sum(-1)
    kernel = np.exp(-gamma * diff2).astype(np.float32)  # [N, 26, 26], diag == 1 (self loops present)
    return graph_x, kernel


def setup_inputs(seed: int = 0) -> dict:
    key = jax.random.key(seed)
    k1, k2, k3, k4 = jax.random.split(key, 4)
    graph_x, kernel = _build_graphs()
    indices = jax.random.randint(k1, (BATCH,), 0, N_DATA)
    W0 = jax.random.normal(k2, (IN_DIM, H0), jnp.float32) * np.sqrt(2.0 / (IN_DIM + H0))
    W1 = jax.random.normal(k3, (H0, H1), jnp.float32) * np.sqrt(2.0 / (H0 + H1))
    Wlin = jax.random.normal(k4, (H1, OUT_DIM), jnp.float32) * np.sqrt(1.0 / H1)
    return {"indices": indices, "graph_x": jnp.asarray(graph_x), "kernel": jnp.asarray(kernel),
            "W0": W0, "W1": W1, "Wlin": Wlin}


def _gcn_layer(x, src, dst, norm, W, n_nodes):
    # GCNConv(bias=False): x' = scatter_add(norm * (xW)[src] -> dst)
    h = x @ W
    msg = norm[:, None] * jnp.take(h, src, axis=0)
    return jax.ops.segment_sum(msg, dst, num_segments=n_nodes)


def reference(indices, graph_x, kernel, W0, W1, Wlin):
    B = indices.shape[0]
    n_nodes = B * NODES
    x = jnp.take(graph_x, indices, axis=0).reshape(n_nodes, IN_DIM)
    w = jnp.take(kernel, indices, axis=0).reshape(-1)  # [B*26*26], row-major == adj.nonzero order
    row = jnp.repeat(jnp.arange(NODES), NODES)
    col = jnp.tile(jnp.arange(NODES), NODES)
    off = (jnp.arange(B) * NODES)[:, None]
    src = (row[None, :] + off).reshape(-1)
    dst = (col[None, :] + off).reshape(-1)
    # gcn_norm: self loops already present with weight 1 (kernel diag), so add_remaining_self_loops is a no-op
    deg = jax.ops.segment_sum(w, dst, num_segments=n_nodes)
    dinv = jax.lax.rsqrt(deg)
    norm = jnp.take(dinv, src) * w * jnp.take(dinv, dst)
    h = jax.nn.relu(_gcn_layer(x, src, dst, norm, W0, n_nodes))   # dropout: eval mode identity
    h = jax.nn.relu(_gcn_layer(h, src, dst, norm, W1, n_nodes))
    out = h.reshape(B, NODES, H1)
    center = out[:, 0]
    pred = jax.nn.relu(center @ Wlin)
    return pred

if __name__ == "__main__":
    import jax
    _d = setup_inputs()
    print(jax.jit(kernel)(*tuple(_d.values())))

</pallas_src>

<mosaic_0001>
#map = affine_map<(d0, d1) -> (0, 0, 0)>
#map1 = affine_map<(d0, d1) -> (0, 0)>
module attributes {stable_mosaic.version = 14 : i64} {
  func.func @_sc_gather(%arg0: i32, %arg1: i32, %arg2: memref<4096x26x128xf32, #tpu.memory_space<hbm>>, %arg3: memref<4096x26x26xf32, #tpu.memory_space<hbm>>, %arg4: memref<64x16xi32, #tpu.memory_space<hbm>>, %arg5: memref<1024x26x128xf32, #tpu.memory_space<hbm>>, %arg6: memref<1024x26x26xf32, #tpu.memory_space<hbm>>, %arg7: memref<2x16xi32, #tpu.memory_space<vmem>>, %arg8: memref<16x26x128xf32, #tpu.memory_space<vmem>>, %arg9: memref<16x26x26xf32, #tpu.memory_space<vmem>>, %arg10: memref<!tpu.dma_semaphore, #tpu.memory_space<semaphore_mem>>) attributes {dimension_semantics = [#tpu.dimension_semantics<core_parallel>, #tpu.dimension_semantics<subcore_parallel>], iteration_bounds = array<i64: 2, 16>, scalar_prefetch = 0 : i64, scratch_operands = 4 : i64, tpu.core_type = #tpu.core_type<sc_vector_subcore>, window_params = [{transform_indices = #map}, {transform_indices = #map}, {transform_indices = #map1}, {transform_indices = #map}, {transform_indices = #map}]} {
    %mul3A = arith.constant 2 : i32
    %mul3A_0 = arith.muli %arg1, %mul3A : i32
    %add3A = arith.addi %mul3A_0, %arg0 : i32
    %mul3A_1 = arith.constant 2 : i32
    %mul3A_2 = arith.muli %add3A, %mul3A_1 : i32
    "tpu.region"() ({
      %run_scoped3A = tpu.sem_alloc : memref<!tpu.dma_semaphore, #tpu.memory_space<semaphore_mem>>
      %dma_start3A_81 = arith.constant 0 : i32
      %dma_start3A_82 = tpu.memref_slice %arg4[%mul3A_2, %dma_start3A_81] : memref<64x16xi32, #tpu.memory_space<hbm>> -> memref<2x16xi32, #tpu.memory_space<hbm>>
      %dma_start3A_83 = arith.constant 0 : i32
      %dma_start3A_84 = tpu.memref_slice %arg4[%mul3A_2, %dma_start3A_83] : memref<64x16xi32, #tpu.memory_space<hbm>> -> memref<2x16xi32, #tpu.memory_space<hbm>>
      tpu.enqueue_dma source(%dma_start3A_84 : memref<2x16xi32, #tpu.memory_space<hbm>>) target(%arg7 : memref<2x16xi32, #tpu.memory_space<vmem>>) target_semaphore(%run_scoped3A : memref<!tpu.dma_semaphore, #tpu.memory_space<semaphore_mem>>)
      %dma_wait3A_85 = arith.constant 0 : i32
      %dma_wait3A_86 = tpu.memref_slice %arg4[%mul3A_2, %dma_wait3A_85] : memref<64x16xi32, #tpu.memory_space<hbm>> -> memref<2x16xi32, #tpu.memory_space<hbm>>
      %dma_wait3A_87 = arith.constant 0 : i32
      %dma_wait3A_88 = tpu.memref_slice %arg4[%mul3A_2, %dma_wait3A_87] : memref<64x16xi32, #tpu.memory_space<hbm>> -> memref<2x16xi32, #tpu.memory_space<hbm>>
      tpu.wait_dma2 semaphore(%run_scoped3A : memref<!tpu.dma_semaphore, #tpu.memory_space<semaphore_mem>>) src(%dma_wait3A_88 : memref<2x16xi32, #tpu.memory_space<hbm>>) dst(%arg7 : memref<2x16xi32, #tpu.memory_space<vmem>>)
      tpu.yield
    }) : () -> ()
    %dma_start3A = arith.constant 0 : i32
    %dma_start3A_3 = arith.constant 0 : i32
    %dma_start3A_4 = tpu.memref_slice %arg7[%dma_start3A, %dma_start3A_3] : memref<2x16xi32, #tpu.memory_space<vmem>> -> memref<1x16xi32, #tpu.memory_space<vmem>>
    %dma_start3A_5 = tpu.memref_squeeze %dma_start3A_4 : memref<1x16xi32, #tpu.memory_space<vmem>> -> memref<16xi32, #tpu.memory_space<vmem>>
    %dma_start3A_6 = arith.constant 0 : i32
    %dma_start3A_7 = arith.constant 0 : i32
    %dma_start3A_8 = arith.constant 0 : i32
    %dma_start3A_9 = tpu.memref_slice %arg3[%dma_start3A_6, %dma_start3A_7, %dma_start3A_8] : memref<4096x26x26xf32, #tpu.memory_space<hbm>> -> memref<4096x26x26xf32, #tpu.memory_space<hbm>>
    tpu.enqueue_indirect_dma source(%dma_start3A_9 : memref<4096x26x26xf32, #tpu.memory_space<hbm>>) target(%arg9 : memref<16x26x26xf32, #tpu.memory_space<vmem>>) offsets(%dma_start3A_5 : memref<16xi32, #tpu.memory_space<vmem>>) semaphore(%arg10 : memref<!tpu.dma_semaphore, #tpu.memory_space<semaphore_mem>>)
    %dma_wait3A = arith.constant 0 : i32
    %dma_wait3A_10 = arith.constant 0 : i32
    %dma_wait3A_11 = tpu.memref_slice %arg7[%dma_wait3A, %dma_wait3A_10] : memref<2x16xi32, #tpu.memory_space<vmem>> -> memref<1x16xi32, #tpu.memory_space<vmem>>
    %dma_wait3A_12 = tpu.memref_squeeze %dma_wait3A_11 : memref<1x16xi32, #tpu.memory_space<vmem>> -> memref<16xi32, #tpu.memory_space<vmem>>
    %dma_wait3A_13 = arith.constant 0 : i32
    %dma_wait3A_14 = arith.constant 0 : i32
    %dma_wait3A_15 = arith.constant 0 : i32
    %dma_wait3A_16 = tpu.memref_slice %arg3[%dma_wait3A_13, %dma_wait3A_14, %dma_wait3A_15] : memref<4096x26x26xf32, #tpu.memory_space<hbm>> -> memref<4096x26x26xf32, #tpu.memory_space<hbm>>
    tpu.wait_indirect_dma semaphore(%arg10 : memref<!tpu.dma_semaphore, #tpu.memory_space<semaphore_mem>>) src(%dma_wait3A_16 : memref<4096x26x26xf32, #tpu.memory_space<hbm>>) dst(%arg9 : memref<16x26x26xf32, #tpu.memory_space<vmem>>)
    %add3A_17 = arith.constant 0 : i32
    %add3A_18 = arith.addi %mul3A_2, %add3A_17 : i32
    %mul3A_19 = arith.constant 16 : i32
    %mul3A_20 = arith.muli %add3A_18, %mul3A_19 : i32
    "tpu.region"() ({
      %run_scoped3A = tpu.sem_alloc : memref<!tpu.dma_semaphore, #tpu.memory_space<semaphore_mem>>
      %dma_start3A_81 = arith.constant 0 : i32
      %dma_start3A_82 = arith.constant 0 : i32
      %dma_start3A_83 = tpu.memref_slice %arg6[%mul3A_20, %dma_start3A_81, %dma_start3A_82] : memref<1024x26x26xf32, #tpu.memory_space<hbm>> -> memref<16x26x26xf32, #tpu.memory_space<hbm>>
      %dma_start3A_84 = arith.constant 0 : i32
      %dma_start3A_85 = arith.constant 0 : i32
      %dma_start3A_86 = tpu.memref_slice %arg6[%mul3A_20, %dma_start3A_84, %dma_start3A_85] : memref<1024x26x26xf32, #tpu.memory_space<hbm>> -> memref<16x26x26xf32, #tpu.memory_space<hbm>>
      tpu.enqueue_dma source(%arg9 : memref<16x26x26xf32, #tpu.memory_space<vmem>>) target(%dma_start3A_86 : memref<16x26x26xf32, #tpu.memory_space<hbm>>) target_semaphore(%run_scoped3A : memref<!tpu.dma_semaphore, #tpu.memory_space<semaphore_mem>>)
      %dma_wait3A_87 = arith.constant 0 : i32
      %dma_wait3A_88 = arith.constant 0 : i32
      %dma_wait3A_89 = tpu.memref_slice %arg6[%mul3A_20, %dma_wait3A_87, %dma_wait3A_88] : memref<1024x26x26xf32, #tpu.memory_space<hbm>> -> memref<16x26x26xf32, #tpu.memory_space<hbm>>
      %dma_wait3A_90 = arith.constant 0 : i32
      %dma_wait3A_91 = arith.constant 0 : i32
      %dma_wait3A_92 = tpu.memref_slice %arg6[%mul3A_20, %dma_wait3A_90, %dma_wait3A_91] : memref<1024x26x26xf32, #tpu.memory_space<hbm>> -> memref<16x26x26xf32, #tpu.memory_space<hbm>>
      tpu.wait_dma2 semaphore(%run_scoped3A : memref<!tpu.dma_semaphore, #tpu.memory_space<semaphore_mem>>) src(%arg9 : memref<16x26x26xf32, #tpu.memory_space<vmem>>) dst(%dma_wait3A_92 : memref<16x26x26xf32, #tpu.memory_space<hbm>>)
      tpu.yield
    }) : () -> ()
    %dma_start3A_21 = arith.constant 1 : i32
    %dma_start3A_22 = arith.constant 0 : i32
    %dma_start3A_23 = tpu.memref_slice %arg7[%dma_start3A_21, %dma_start3A_22] : memref<2x16xi32, #tpu.memory_space<vmem>> -> memref<1x16xi32, #tpu.memory_space<vmem>>
    %dma_start3A_24 = tpu.memref_squeeze %dma_start3A_23 : memref<1x16xi32, #tpu.memory_space<vmem>> -> memref<16xi32, #tpu.memory_space<vmem>>
    %dma_start3A_25 = arith.constant 0 : i32
    %dma_start3A_26 = arith.constant 0 : i32
    %dma_start3A_27 = arith.constant 0 : i32
    %dma_start3A_28 = tpu.memref_slice %arg3[%dma_start3A_25, %dma_start3A_26, %dma_start3A_27] : memref<4096x26x26xf32, #tpu.memory_space<hbm>> -> memref<4096x26x26xf32, #tpu.memory_space<hbm>>
    tpu.enqueue_indirect_dma source(%dma_start3A_28 : memref<4096x26x26xf32, #tpu.memory_space<hbm>>) target(%arg9 : memref<16x26x26xf32, #tpu.memory_space<vmem>>) offsets(%dma_start3A_24 : memref<16xi32, #tpu.memory_space<vmem>>) semaphore(%arg10 : memref<!tpu.dma_semaphore, #tpu.memory_space<semaphore_mem>>)
    %dma_wait3A_29 = arith.constant 1 : i32
    %dma_wait3A_30 = arith.constant 0 : i32
    %dma_wait3A_31 = tpu.memref_slice %arg7[%dma_wait3A_29, %dma_wait3A_30] : memref<2x16xi32, #tpu.memory_space<vmem>> -> memref<1x16xi32, #tpu.memory_space<vmem>>
    %dma_wait3A_32 = tpu.memref_squeeze %dma_wait3A_31 : memref<1x16xi32, #tpu.memory_space<vmem>> -> memref<16xi32, #tpu.memory_space<vmem>>
    %dma_wait3A_33 = arith.constant 0 : i32
    %dma_wait3A_34 = arith.constant 0 : i32
    %dma_wait3A_35 = arith.constant 0 : i32
    %dma_wait3A_36 = tpu.memref_slice %arg3[%dma_wait3A_33, %dma_wait3A_34, %dma_wait3A_35] : memref<4096x26x26xf32, #tpu.memory_space<hbm>> -> memref<4096x26x26xf32, #tpu.memory_space<hbm>>
    tpu.wait_indirect_dma semaphore(%arg10 : memref<!tpu.dma_semaphore, #tpu.memory_space<semaphore_mem>>) src(%dma_wait3A_36 : memref<4096x26x26xf32, #tpu.memory_space<hbm>>) dst(%arg9 : memref<16x26x26xf32, #tpu.memory_space<vmem>>)
    %add3A_37 = arith.constant 1 : i32
    %add3A_38 = arith.addi %mul3A_2, %add3A_37 : i32
    %mul3A_39 = arith.constant 16 : i32
    %mul3A_40 = arith.muli %add3A_38, %mul3A_39 : i32
    "tpu.region"() ({
      %run_scoped3A = tpu.sem_alloc : memref<!tpu.dma_semaphore, #tpu.memory_space<semaphore_mem>>
      %dma_start3A_81 = arith.constant 0 : i32
      %dma_start3A_82 = arith.constant 0 : i32
      %dma_start3A_83 = tpu.memref_slice %arg6[%mul3A_40, %dma_start3A_81, %dma_start3A_82] : memref<1024x26x26xf32, #tpu.memory_space<hbm>> -> memref<16x26x26xf32, #tpu.memory_space<hbm>>
      %dma_start3A_84 = arith.constant 0 : i32
      %dma_start3A_85 = arith.constant 0 : i32
      %dma_start3A_86 = tpu.memref_slice %arg6[%mul3A_40, %dma_start3A_84, %dma_start3A_85] : memref<1024x26x26xf32, #tpu.memory_space<hbm>> -> memref<16x26x26xf32, #tpu.memory_space<hbm>>
      tpu.enqueue_dma source(%arg9 : memref<16x26x26xf32, #tpu.memory_space<vmem>>) target(%dma_start3A_86 : memref<16x26x26xf32, #tpu.memory_space<hbm>>) target_semaphore(%run_scoped3A : memref<!tpu.dma_semaphore, #tpu.memory_space<semaphore_mem>>)
      %dma_wait3A_87 = arith.constant 0 : i32
      %dma_wait3A_88 = arith.constant 0 : i32
      %dma_wait3A_89 = tpu.memref_slice %arg6[%mul3A_40, %dma_wait3A_87, %dma_wait3A_88] : memref<1024x26x26xf32, #tpu.memory_space<hbm>> -> memref<16x26x26xf32, #tpu.memory_space<hbm>>
      %dma_wait3A_90 = arith.constant 0 : i32
      %dma_wait3A_91 = arith.constant 0 : i32
      %dma_wait3A_92 = tpu.memref_slice %arg6[%mul3A_40, %dma_wait3A_90, %dma_wait3A_91] : memref<1024x26x26xf32, #tpu.memory_space<hbm>> -> memref<16x26x26xf32, #tpu.memory_space<hbm>>
      tpu.wait_dma2 semaphore(%run_scoped3A : memref<!tpu.dma_semaphore, #tpu.memory_space<semaphore_mem>>) src(%arg9 : memref<16x26x26xf32, #tpu.memory_space<vmem>>) dst(%dma_wait3A_92 : memref<16x26x26xf32, #tpu.memory_space<hbm>>)
      tpu.yield
    }) : () -> ()
    %dma_start3A_41 = arith.constant 0 : i32
    %dma_start3A_42 = arith.constant 0 : i32
    %dma_start3A_43 = tpu.memref_slice %arg7[%dma_start3A_41, %dma_start3A_42] : memref<2x16xi32, #tpu.memory_space<vmem>> -> memref<1x16xi32, #tpu.memory_space<vmem>>
    %dma_start3A_44 = tpu.memref_squeeze %dma_start3A_43 : memref<1x16xi32, #tpu.memory_space<vmem>> -> memref<16xi32, #tpu.memory_space<vmem>>
    %dma_start3A_45 = arith.constant 0 : i32
    %dma_start3A_46 = arith.constant 0 : i32
    %dma_start3A_47 = arith.constant 0 : i32
    %dma_start3A_48 = tpu.memref_slice %arg2[%dma_start3A_45, %dma_start3A_46, %dma_start3A_47] : memref<4096x26x128xf32, #tpu.memory_space<hbm>> -> memref<4096x26x128xf32, #tpu.memory_space<hbm>>
    tpu.enqueue_indirect_dma source(%dma_start3A_48 : memref<4096x26x128xf32, #tpu.memory_space<hbm>>) target(%arg8 : memref<16x26x128xf32, #tpu.memory_space<vmem>>) offsets(%dma_start3A_44 : memref<16xi32, #tpu.memory_space<vmem>>) semaphore(%arg10 : memref<!tpu.dma_semaphore, #tpu.memory_space<semaphore_mem>>)
    %dma_wait3A_49 = arith.constant 0 : i32
    %dma_wait3A_50 = arith.constant 0 : i32
    %dma_wait3A_51 = tpu.memref_slice %arg7[%dma_wait3A_49, %dma_wait3A_50] : memref<2x16xi32, #tpu.memory_space<vmem>> -> memref<1x16xi32, #tpu.memory_space<vmem>>
    %dma_wait3A_52 = tpu.memref_squeeze %dma_wait3A_51 : memref<1x16xi32, #tpu.memory_space<vmem>> -> memref<16xi32, #tpu.memory_space<vmem>>
    %dma_wait3A_53 = arith.constant 0 : i32
    %dma_wait3A_54 = arith.constant 0 : i32
    %dma_wait3A_55 = arith.constant 0 : i32
    %dma_wait3A_56 = tpu.memref_slice %arg2[%dma_wait3A_53, %dma_wait3A_54, %dma_wait3A_55] : memref<4096x26x128xf32, #tpu.memory_space<hbm>> -> memref<4096x26x128xf32, #tpu.memory_space<hbm>>
    tpu.wait_indirect_dma semaphore(%arg10 : memref<!tpu.dma_semaphore, #tpu.memory_space<semaphore_mem>>) src(%dma_wait3A_56 : memref<4096x26x128xf32, #tpu.memory_space<hbm>>) dst(%arg8 : memref<16x26x128xf32, #tpu.memory_space<vmem>>)
    %add3A_57 = arith.constant 0 : i32
    %add3A_58 = arith.addi %mul3A_2, %add3A_57 : i32
    %mul3A_59 = arith.constant 16 : i32
    %mul3A_60 = arith.muli %add3A_58, %mul3A_59 : i32
    "tpu.region"() ({
      %run_scoped3A = tpu.sem_alloc : memref<!tpu.dma_semaphore, #tpu.memory_space<semaphore_mem>>
      %dma_start3A_81 = arith.constant 0 : i32
      %dma_start3A_82 = arith.constant 0 : i32
      %dma_start3A_83 = tpu.memref_slice %arg5[%mul3A_60, %dma_start3A_81, %dma_start3A_82] : memref<1024x26x128xf32, #tpu.memory_space<hbm>> -> memref<16x26x128xf32, #tpu.memory_space<hbm>>
      %dma_start3A_84 = arith.constant 0 : i32
      %dma_start3A_85 = arith.constant 0 : i32
      %dma_start3A_86 = tpu.memref_slice %arg5[%mul3A_60, %dma_start3A_84, %dma_start3A_85] : memref<1024x26x128xf32, #tpu.memory_space<hbm>> -> memref<16x26x128xf32, #tpu.memory_space<hbm>>
      tpu.enqueue_dma source(%arg8 : memref<16x26x128xf32, #tpu.memory_space<vmem>>) target(%dma_start3A_86 : memref<16x26x128xf32, #tpu.memory_space<hbm>>) target_semaphore(%run_scoped3A : memref<!tpu.dma_semaphore, #tpu.memory_space<semaphore_mem>>)
      %dma_wait3A_87 = arith.constant 0 : i32
      %dma_wait3A_88 = arith.constant 0 : i32
      %dma_wait3A_89 = tpu.memref_slice %arg5[%mul3A_60, %dma_wait3A_87, %dma_wait3A_88] : memref<1024x26x128xf32, #tpu.memory_space<hbm>> -> memref<16x26x128xf32, #tpu.memory_space<hbm>>
      %dma_wait3A_90 = arith.constant 0 : i32
      %dma_wait3A_91 = arith.constant 0 : i32
      %dma_wait3A_92 = tpu.memref_slice %arg5[%mul3A_60, %dma_wait3A_90, %dma_wait3A_91] : memref<1024x26x128xf32, #tpu.memory_space<hbm>> -> memref<16x26x128xf32, #tpu.memory_space<hbm>>
      tpu.wait_dma2 semaphore(%run_scoped3A : memref<!tpu.dma_semaphore, #tpu.memory_space<semaphore_mem>>) src(%arg8 : memref<16x26x128xf32, #tpu.memory_space<vmem>>) dst(%dma_wait3A_92 : memref<16x26x128xf32, #tpu.memory_space<hbm>>)
      tpu.yield
    }) : () -> ()
    %dma_start3A_61 = arith.constant 1 : i32
    %dma_start3A_62 = arith.constant 0 : i32
    %dma_start3A_63 = tpu.memref_slice %arg7[%dma_start3A_61, %dma_start3A_62] : memref<2x16xi32, #tpu.memory_space<vmem>> -> memref<1x16xi32, #tpu.memory_space<vmem>>
    %dma_start3A_64 = tpu.memref_squeeze %dma_start3A_63 : memref<1x16xi32, #tpu.memory_space<vmem>> -> memref<16xi32, #tpu.memory_space<vmem>>
    %dma_start3A_65 = arith.constant 0 : i32
    %dma_start3A_66 = arith.constant 0 : i32
    %dma_start3A_67 = arith.constant 0 : i32
    %dma_start3A_68 = tpu.memref_slice %arg2[%dma_start3A_65, %dma_start3A_66, %dma_start3A_67] : memref<4096x26x128xf32, #tpu.memory_space<hbm>> -> memref<4096x26x128xf32, #tpu.memory_space<hbm>>
    tpu.enqueue_indirect_dma source(%dma_start3A_68 : memref<4096x26x128xf32, #tpu.memory_space<hbm>>) target(%arg8 : memref<16x26x128xf32, #tpu.memory_space<vmem>>) offsets(%dma_start3A_64 : memref<16xi32, #tpu.memory_space<vmem>>) semaphore(%arg10 : memref<!tpu.dma_semaphore, #tpu.memory_space<semaphore_mem>>)
    %dma_wait3A_69 = arith.constant 1 : i32
    %dma_wait3A_70 = arith.constant 0 : i32
    %dma_wait3A_71 = tpu.memref_slice %arg7[%dma_wait3A_69, %dma_wait3A_70] : memref<2x16xi32, #tpu.memory_space<vmem>> -> memref<1x16xi32, #tpu.memory_space<vmem>>
    %dma_wait3A_72 = tpu.memref_squeeze %dma_wait3A_71 : memref<1x16xi32, #tpu.memory_space<vmem>> -> memref<16xi32, #tpu.memory_space<vmem>>
    %dma_wait3A_73 = arith.constant 0 : i32
    %dma_wait3A_74 = arith.constant 0 : i32
    %dma_wait3A_75 = arith.constant 0 : i32
    %dma_wait3A_76 = tpu.memref_slice %arg2[%dma_wait3A_73, %dma_wait3A_74, %dma_wait3A_75] : memref<4096x26x128xf32, #tpu.memory_space<hbm>> -> memref<4096x26x128xf32, #tpu.memory_space<hbm>>
    tpu.wait_indirect_dma semaphore(%arg10 : memref<!tpu.dma_semaphore, #tpu.memory_space<semaphore_mem>>) src(%dma_wait3A_76 : memref<4096x26x128xf32, #tpu.memory_space<hbm>>) dst(%arg8 : memref<16x26x128xf32, #tpu.memory_space<vmem>>)
    %add3A_77 = arith.constant 1 : i32
    %add3A_78 = arith.addi %mul3A_2, %add3A_77 : i32
    %mul3A_79 = arith.constant 16 : i32
    %mul3A_80 = arith.muli %add3A_78, %mul3A_79 : i32
    "tpu.region"() ({
      %run_scoped3A = tpu.sem_alloc : memref<!tpu.dma_semaphore, #tpu.memory_space<semaphore_mem>>
      %dma_start3A_81 = arith.constant 0 : i32
      %dma_start3A_82 = arith.constant 0 : i32
      %dma_start3A_83 = tpu.memref_slice %arg5[%mul3A_80, %dma_start3A_81, %dma_start3A_82] : memref<1024x26x128xf32, #tpu.memory_space<hbm>> -> memref<16x26x128xf32, #tpu.memory_space<hbm>>
      %dma_start3A_84 = arith.constant 0 : i32
      %dma_start3A_85 = arith.constant 0 : i32
      %dma_start3A_86 = tpu.memref_slice %arg5[%mul3A_80, %dma_start3A_84, %dma_start3A_85] : memref<1024x26x128xf32, #tpu.memory_space<hbm>> -> memref<16x26x128xf32, #tpu.memory_space<hbm>>
      tpu.enqueue_dma source(%arg8 : memref<16x26x128xf32, #tpu.memory_space<vmem>>) target(%dma_start3A_86 : memref<16x26x128xf32, #tpu.memory_space<hbm>>) target_semaphore(%run_scoped3A : memref<!tpu.dma_semaphore, #tpu.memory_space<semaphore_mem>>)
      %dma_wait3A_87 = arith.constant 0 : i32
      %dma_wait3A_88 = arith.constant 0 : i32
      %dma_wait3A_89 = tpu.memref_slice %arg5[%mul3A_80, %dma_wait3A_87, %dma_wait3A_88] : memref<1024x26x128xf32, #tpu.memory_space<hbm>> -> memref<16x26x128xf32, #tpu.memory_space<hbm>>
      %dma_wait3A_90 = arith.constant 0 : i32
      %dma_wait3A_91 = arith.constant 0 : i32
      %dma_wait3A_92 = tpu.memref_slice %arg5[%mul3A_80, %dma_wait3A_90, %dma_wait3A_91] : memref<1024x26x128xf32, #tpu.memory_space<hbm>> -> memref<16x26x128xf32, #tpu.memory_space<hbm>>
      tpu.wait_dma2 semaphore(%run_scoped3A : memref<!tpu.dma_semaphore, #tpu.memory_space<semaphore_mem>>) src(%arg8 : memref<16x26x128xf32, #tpu.memory_space<vmem>>) dst(%dma_wait3A_92 : memref<16x26x128xf32, #tpu.memory_space<hbm>>)
      tpu.yield
    }) : () -> ()
    return
  }
}

module attributes {stable_mosaic.version = 14 : i64} {
  func.func @_tc_kernel(%arg0: i32, %arg1: memref<8x26x128xf32, #tpu.memory_space<vmem>>, %arg2: memref<8x26x26xf32, #tpu.memory_space<vmem>>, %arg3: memref<128x48xf32, #tpu.memory_space<vmem>>, %arg4: memref<48x60xf32, #tpu.memory_space<vmem>>, %arg5: memref<60x1xf32, #tpu.memory_space<vmem>>, %arg6: memref<8x1x1xf32, #tpu.memory_space<vmem>>, %arg7: memref<256x256xf32, #tpu.memory_space<vmem>>, %arg8: memref<256x48xf32, #tpu.memory_space<vmem>>, %arg9: memref<256x1xf32, #tpu.memory_space<vmem>>, %arg10: memref<8x256xf32, #tpu.memory_space<vmem>>) attributes {dimension_semantics = [#tpu.dimension_semantics<arbitrary>], iteration_bounds = array<i64: 128>, scalar_prefetch = 0 : i64, scratch_operands = 4 : i64, tpu.core_type = #tpu.core_type<tc>, window_params = [{transform_indices = @transform_0, window_bounds = array<i64: 8, 26, 128>}, {transform_indices = @transform_1, window_bounds = array<i64: 8, 26, 26>}, {pipeline_mode = #tpu.pipeline_mode<synchronous>, transform_indices = @transform_2, window_bounds = array<i64: 128, 48>}, {pipeline_mode = #tpu.pipeline_mode<synchronous>, transform_indices = @transform_3, window_bounds = array<i64: 48, 60>}, {pipeline_mode = #tpu.pipeline_mode<synchronous>, transform_indices = @transform_4, window_bounds = array<i64: 60, 1>}, {transform_indices = @transform_5, window_bounds = array<i64: 8, 1, 1>}]} {
    %eq3A = arith.constant 0 : i32
    %eq3A_0 = arith.cmpi eq, %arg0, %eq3A : i32
    %convert_element_type3A = arith.extui %eq3A_0 : i1 to i32
    %cond3A = arith.constant 0 : i32
    %cond3A_1 = arith.cmpi ne, %convert_element_type3A, %cond3A : i32
    scf.if %cond3A_1 {
      %broadcast_in_dim3A_370 = arith.constant 0.000000e+00 : f32
      %broadcast_in_dim3A_371 = vector.broadcast %broadcast_in_dim3A_370 : f32 to vector<256x256xf32>
      %swap3A_372 = arith.constant 0 : index
      %swap3A_373 = arith.constant 0 : index
      %swap3A_374 = vector.load %arg7[%swap3A_372, %swap3A_373] : memref<256x256xf32, #tpu.memory_space<vmem>>, vector<256x256xf32>
      tpu.vector_store %arg7[%swap3A_372, %swap3A_373], %broadcast_in_dim3A_371 {strides = array<i32>} : memref<256x256xf32, #tpu.memory_space<vmem>>, vector<256x256xf32>,
      %broadcast_in_dim3A_375 = arith.constant 0.000000e+00 : f32
      %broadcast_in_dim3A_376 = vector.broadcast %broadcast_in_dim3A_375 : f32 to vector<256x48xf32>
      %swap3A_377 = arith.constant 0 : index
      %swap3A_378 = arith.constant 0 : index
      %swap3A_379 = vector.load %arg8[%swap3A_377, %swap3A_378] : memref<256x48xf32, #tpu.memory_space<vmem>>, vector<256x48xf32>
      tpu.vector_store %arg8[%swap3A_377, %swap3A_378], %broadcast_in_dim3A_376 {strides = array<i32>} : memref<256x48xf32, #tpu.memory_space<vmem>>, vector<256x48xf32>,
      %broadcast_in_dim3A_380 = arith.constant 0.000000e+00 : f32
      %broadcast_in_dim3A_381 = vector.broadcast %broadcast_in_dim3A_380 : f32 to vector<256x1xf32>
      %swap3A_382 = arith.constant 0 : index
      %swap3A_383 = arith.constant 0 : index
      %swap3A_384 = vector.load %arg9[%swap3A_382, %swap3A_383] : memref<256x1xf32, #tpu.memory_space<vmem>>, vector<256x1xf32>
      tpu.vector_store %arg9[%swap3A_382, %swap3A_383], %broadcast_in_dim3A_381 {strides = array<i32>} : memref<256x1xf32, #tpu.memory_space<vmem>>, vector<256x1xf32>,
      %broadcast_in_dim3A_385 = arith.constant 0.000000e+00 : f32
      %broadcast_in_dim3A_386 = vector.broadcast %broadcast_in_dim3A_385 : f32 to vector<8x256xf32>
      %swap3A_387 = arith.constant 0 : index
      %swap3A_388 = arith.constant 0 : index
      %swap3A_389 = vector.load %arg10[%swap3A_387, %swap3A_388] : memref<8x256xf32, #tpu.memory_space<vmem>>, vector<8x256xf32>
      tpu.vector_store %arg10[%swap3A_387, %swap3A_388], %broadcast_in_dim3A_386 {strides = array<i32>} : memref<8x256xf32, #tpu.memory_space<vmem>>, vector<8x256xf32>,
    } else {
    }
    %get3A = arith.constant 0 : index
    %get3A_2 = arith.constant 0 : index
    %get3A_3 = arith.constant 0 : index
    %get3A_4 = vector.load %arg2[%get3A, %get3A_2, %get3A_3] : memref<8x26x26xf32, #tpu.memory_space<vmem>>, vector<1x26x26xf32>
    %get3A_5 = vector.shape_cast %get3A_4 : vector<1x26x26xf32> to vector<26x26xf32>
    %reduce_sum3A = arith.constant dense<0.000000e+00> : vector<26xf32>
    %reduce_sum3A_6 = vector.multi_reduction <add>, %get3A_5, %reduce_sum3A [1] : vector<26x26xf32> to vector<26xf32>
    %broadcast_in_dim3A = vector.shape_cast %reduce_sum3A_6 : vector<26xf32> to vector<26x1xf32>
    %rsqrt3A = math.rsqrt %broadcast_in_dim3A : vector<26x1xf32>
    %reduce_sum3A_7 = arith.constant dense<0.000000e+00> : vector<26xf32>
    %reduce_sum3A_8 = vector.multi_reduction <add>, %get3A_5, %reduce_sum3A_7 [0] : vector<26x26xf32> to vector<26xf32>
    %broadcast_in_dim3A_9 = vector.shape_cast %reduce_sum3A_8 : vector<26xf32> to vector<1x26xf32>
    %rsqrt3A_10 = math.rsqrt %broadcast_in_dim3A_9 : vector<1x26xf32>
    %get3A_11 = arith.constant 0 : index
    %get3A_12 = arith.constant 0 : index
    %get3A_13 = arith.constant 0 : index
    %get3A_14 = vector.load %arg1[%get3A_11, %get3A_12, %get3A_13] : memref<8x26x128xf32, #tpu.memory_space<vmem>>, vector<1x26x128xf32>
    %get3A_15 = vector.shape_cast %get3A_14 : vector<1x26x128xf32> to vector<26x128xf32>
    %get3A_16 = arith.constant 0 : index
    %get3A_17 = arith.constant 0 : index
    %get3A_18 = vector.load %arg3[%get3A_16, %get3A_17] : memref<128x48xf32, #tpu.memory_space<vmem>>, vector<128x48xf32>
    %dot_general3A = arith.constant dense<0.000000e+00> : vector<26x48xf32>
    %dot_general3A_19 = tpu.matmul %get3A_15, %get3A_18, %dot_general3A {dimension_numbers = #tpu.dot_dimension_numbers<[1], [0], [0], [1], [0, 0, 1, 1], [], []>, transpose_lhs_hint = false} : vector<26x128xf32>, vector<128x48xf32>, vector<26x48xf32> -> vector<26x48xf32>
    %mul3A = vector.broadcast %rsqrt3A : vector<26x1xf32> to vector<26x48xf32>
    %mul3A_20 = arith.mulf %mul3A, %dot_general3A_19 : vector<26x48xf32>
    %swap3A = arith.constant 0 : index
    %swap3A_21 = arith.constant 0 : index
    %swap3A_22 = vector.load %arg8[%swap3A, %swap3A_21] : memref<256x48xf32, #tpu.memory_space<vmem>>, vector<26x48xf32>
    tpu.vector_store %arg8[%swap3A, %swap3A_21], %mul3A_20 {strides = array<i32>} : memref<256x48xf32, #tpu.memory_space<vmem>>, vector<26x48xf32>,
    %swap3A_23 = arith.constant 0 : index
    %swap3A_24 = arith.constant 0 : index
    %swap3A_25 = vector.load %arg9[%swap3A_23, %swap3A_24] : memref<256x1xf32, #tpu.memory_space<vmem>>, vector<26x1xf32>
    tpu.vector_store %arg9[%swap3A_23, %swap3A_24], %rsqrt3A {strides = array<i32>} : memref<256x1xf32, #tpu.memory_space<vmem>>, vector<26x1xf32>,
    %swap3A_26 = arith.constant 0 : index
    %swap3A_27 = arith.constant 0 : index
    %swap3A_28 = vector.load %arg7[%swap3A_26, %swap3A_27] : memref<256x256xf32, #tpu.memory_space<vmem>>, vector<26x26xf32>
    tpu.vector_store %arg7[%swap3A_26, %swap3A_27], %get3A_5 {strides = array<i32>} : memref<256x256xf32, #tpu.memory_space<vmem>>, vector<26x26xf32>,
    %slice3A = vector.extract_strided_slice %get3A_5 {offsets = [0, 0], sizes = [1, 26], strides = [1, 1]} : vector<26x26xf32> to vector<1x26xf32>
    %mul3A_29 = arith.mulf %slice3A, %rsqrt3A_10 : vector<1x26xf32>
    %slice3A_30 = vector.extract_strided_slice %rsqrt3A {offsets = [0, 0], sizes = [1, 1], strides = [1, 1]} : vector<26x1xf32> to vector<1x1xf32>
    %mul3A_31 = vector.broadcast %slice3A_30 : vector<1x1xf32> to vector<1x26xf32>
    %mul3A_32 = arith.mulf %mul3A_29, %mul3A_31 : vector<1x26xf32>
    %swap3A_33 = arith.constant 0 : index
    %swap3A_34 = arith.constant 0 : index
    %swap3A_35 = vector.load %arg10[%swap3A_33, %swap3A_34] : memref<8x256xf32, #tpu.memory_space<vmem>>, vector<1x26xf32>
    tpu.vector_store %arg10[%swap3A_33, %swap3A_34], %mul3A_32 {strides = array<i32>} : memref<8x256xf32, #tpu.memory_space<vmem>>, vector<1x26xf32>,
    %get3A_36 = arith.constant 1 : index
    %get3A_37 = arith.constant 0 : index
    %get3A_38 = arith.constant 0 : index
    %get3A_39 = vector.load %arg2[%get3A_36, %get3A_37, %get3A_38] : memref<8x26x26xf32, #tpu.memory_space<vmem>>, vector<1x26x26xf32>
    %get3A_40 = vector.shape_cast %get3A_39 : vector<1x26x26xf32> to vector<26x26xf32>
    %reduce_sum3A_41 = arith.constant dense<0.000000e+00> : vector<26xf32>
    %reduce_sum3A_42 = vector.multi_reduction <add>, %get3A_40, %reduce_sum3A_41 [1] : vector<26x26xf32> to vector<26xf32>
    %broadcast_in_dim3A_43 = vector.shape_cast %reduce_sum3A_42 : vector<26xf32> to vector<26x1xf32>
    %rsqrt3A_44 = math.rsqrt %broadcast_in_dim3A_43 : vector<26x1xf32>
    %reduce_sum3A_45 = arith.constant dense<0.000000e+00> : vector<26xf32>
    %reduce_sum3A_46 = vector.multi_reduction <add>, %get3A_40, %reduce_sum3A_45 [0] : vector<26x26xf32> to vector<26xf32>
    %broadcast_in_dim3A_47 = vector.shape_cast %reduce_sum3A_46 : vector<26xf32> to vector<1x26xf32>
    %rsqrt3A_48 = math.rsqrt %broadcast_in_dim3A_47 : vector<1x26xf32>
    %get3A_49 = arith.constant 1 : index
    %get3A_50 = arith.constant 0 : index
    %get3A_51 = arith.constant 0 : index
    %get3A_52 = vector.load %arg1[%get3A_49, %get3A_50, %get3A_51] : memref<8x26x128xf32, #tpu.memory_space<vmem>>, vector<1x26x128xf32>
    %get3A_53 = vector.shape_cast %get3A_52 : vector<1x26x128xf32> to vector<26x128xf32>
    %get3A_54 = arith.constant 0 : index
    %get3A_55 = arith.constant 0 : index
    %get3A_56 = vector.load %arg3[%get3A_54, %get3A_55] : memref<128x48xf32, #tpu.memory_space<vmem>>, vector<128x48xf32>
    %dot_general3A_57 = arith.constant dense<0.000000e+00> : vector<26x48xf32>
    %dot_general3A_58 = tpu.matmul %get3A_53, %get3A_56, %dot_general3A_57 {dimension_numbers = #tpu.dot_dimension_numbers<[1], [0], [0], [1], [0, 0, 1, 1], [], []>, transpose_lhs_hint = false} : vector<26x128xf32>, vector<128x48xf32>, vector<26x48xf32> -> vector<26x48xf32>
    %mul3A_59 = vector.broadcast %rsqrt3A_44 : vector<26x1xf32> to vector<26x48xf32>
    %mul3A_60 = arith.mulf %mul3A_59, %dot_general3A_58 : vector<26x48xf32>
    %swap3A_61 = arith.constant 32 : index
    %swap3A_62 = arith.constant 0 : index
    %swap3A_63 = vector.load %arg8[%swap3A_61, %swap3A_62] : memref<256x48xf32, #tpu.memory_space<vmem>>, vector<26x48xf32>
    tpu.vector_store %arg8[%swap3A_61, %swap3A_62], %mul3A_60 {strides = array<i32>} : memref<256x48xf32, #tpu.memory_space<vmem>>, vector<26x48xf32>,
    %swap3A_64 = arith.constant 32 : index
    %swap3A_65 = arith.constant 0 : index
    %swap3A_66 = vector.load %arg9[%swap3A_64, %swap3A_65] : memref<256x1xf32, #tpu.memory_space<vmem>>, vector<26x1xf32>
    tpu.vector_store %arg9[%swap3A_64, %swap3A_65], %rsqrt3A_44 {strides = array<i32>} : memref<256x1xf32, #tpu.memory_space<vmem>>, vector<26x1xf32>,
    %swap3A_67 = arith.constant 32 : index
    %swap3A_68 = arith.constant 32 : index
    %swap3A_69 = vector.load %arg7[%swap3A_67, %swap3A_68] : memref<256x256xf32, #tpu.memory_space<vmem>>, vector<26x26xf32>
    tpu.vector_store %arg7[%swap3A_67, %swap3A_68], %get3A_40 {strides = array<i32>} : memref<256x256xf32, #tpu.memory_space<vmem>>, vector<26x26xf32>,
    %slice3A_70 = vector.extract_strided_slice %get3A_40 {offsets = [0, 0], sizes = [1, 26], strides = [1, 1]} : vector<26x26xf32> to vector<1x26xf32>
    %mul3A_71 = arith.mulf %slice3A_70, %rsqrt3A_48 : vector<1x26xf32>
    %slice3A_72 = vector.extract_strided_slice %rsqrt3A_44 {offsets = [0, 0], sizes = [1, 1], strides = [1, 1]} : vector<26x1xf32> to vector<1x1xf32>
    %mul3A_73 = vector.broadcast %slice3A_72 : vector<1x1xf32> to vector<1x26xf32>
    %mul3A_74 = arith.mulf %mul3A_71, %mul3A_73 : vector<1x26xf32>
    %swap3A_75 = arith.constant 1 : index
    %swap3A_76 = arith.constant 32 : index
    %swap3A_77 = vector.load %arg10[%swap3A_75, %swap3A_76] : memref<8x256xf32, #tpu.memory_space<vmem>>, vector<1x26xf32>
    tpu.vector_store %arg10[%swap3A_75, %swap3A_76], %mul3A_74 {strides = array<i32>} : memref<8x256xf32, #tpu.memory_space<vmem>>, vector<1x26xf32>,
    %get3A_78 = arith.constant 2 : index
    %get3A_79 = arith.constant 0 : index
    %get3A_80 = arith.constant 0 : index
    %get3A_81 = vector.load %arg2[%get3A_78, %get3A_79, %get3A_80] : memref<8x26x26xf32, #tpu.memory_space<vmem>>, vector<1x26x26xf32>
    %get3A_82 = vector.shape_cast %get3A_81 : vector<1x26x26xf32> to vector<26x26xf32>
    %reduce_sum3A_83 = arith.constant dense<0.000000e+00> : vector<26xf32>
    %reduce_sum3A_84 = vector.multi_reduction <add>, %get3A_82, %reduce_sum3A_83 [1] : vector<26x26xf32> to vector<26xf32>
    %broadcast_in_dim3A_85 = vector.shape_cast %reduce_sum3A_84 : vector<26xf32> to vector<26x1xf32>
    %rsqrt3A_86 = math.rsqrt %broadcast_in_dim3A_85 : vector<26x1xf32>
    %reduce_sum3A_87 = arith.constant dense<0.000000e+00> : vector<26xf32>
    %reduce_sum3A_88 = vector.multi_reduction <add>, %get3A_82, %reduce_sum3A_87 [0] : vector<26x26xf32> to vector<26xf32>
    %broadcast_in_dim3A_89 = vector.shape_cast %reduce_sum3A_88 : vector<26xf32> to vector<1x26xf32>
    %rsqrt3A_90 = math.rsqrt %broadcast_in_dim3A_89 : vector<1x26xf32>
    %get3A_91 = arith.constant 2 : index
    %get3A_92 = arith.constant 0 : index
    %get3A_93 = arith.constant 0 : index
    %get3A_94 = vector.load %arg1[%get3A_91, %get3A_92, %get3A_93] : memref<8x26x128xf32, #tpu.memory_space<vmem>>, vector<1x26x128xf32>
    %get3A_95 = vector.shape_cast %get3A_94 : vector<1x26x128xf32> to vector<26x128xf32>
    %get3A_96 = arith.constant 0 : index
    %get3A_97 = arith.constant 0 : index
    %get3A_98 = vector.load %arg3[%get3A_96, %get3A_97] : memref<128x48xf32, #tpu.memory_space<vmem>>, vector<128x48xf32>
    %dot_general3A_99 = arith.constant dense<0.000000e+00> : vector<26x48xf32>
    %dot_general3A_100 = tpu.matmul %get3A_95, %get3A_98, %dot_general3A_99 {dimension_numbers = #tpu.dot_dimension_numbers<[1], [0], [0], [1], [0, 0, 1, 1], [], []>, transpose_lhs_hint = false} : vector<26x128xf32>, vector<128x48xf32>, vector<26x48xf32> -> vector<26x48xf32>
    %mul3A_101 = vector.broadcast %rsqrt3A_86 : vector<26x1xf32> to vector<26x48xf32>
    %mul3A_102 = arith.mulf %mul3A_101, %dot_general3A_100 : vector<26x48xf32>
    %swap3A_103 = arith.constant 64 : index
    %swap3A_104 = arith.constant 0 : index
    %swap3A_105 = vector.load %arg8[%swap3A_103, %swap3A_104] : memref<256x48xf32, #tpu.memory_space<vmem>>, vector<26x48xf32>
    tpu.vector_store %arg8[%swap3A_103, %swap3A_104], %mul3A_102 {strides = array<i32>} : memref<256x48xf32, #tpu.memory_space<vmem>>, vector<26x48xf32>,
    %swap3A_106 = arith.constant 64 : index
    %swap3A_107 = arith.constant 0 : index
    %swap3A_108 = vector.load %arg9[%swap3A_106, %swap3A_107] : memref<256x1xf32, #tpu.memory_space<vmem>>, vector<26x1xf32>
    tpu.vector_store %arg9[%swap3A_106, %swap3A_107], %rsqrt3A_86 {strides = array<i32>} : memref<256x1xf32, #tpu.memory_space<vmem>>, vector<26x1xf32>,
    %swap3A_109 = arith.constant 64 : index
    %swap3A_110 = arith.constant 64 : index
    %swap3A_111 = vector.load %arg7[%swap3A_109, %swap3A_110] : memref<256x256xf32, #tpu.memory_space<vmem>>, vector<26x26xf32>
    tpu.vector_store %arg7[%swap3A_109, %swap3A_110], %get3A_82 {strides = array<i32>} : memref<256x256xf32, #tpu.memory_space<vmem>>, vector<26x26xf32>,
    %slice3A_112 = vector.extract_strided_slice %get3A_82 {offsets = [0, 0], sizes = [1, 26], strides = [1, 1]} : vector<26x26xf32> to vector<1x26xf32>
    %mul3A_113 = arith.mulf %slice3A_112, %rsqrt3A_90 : vector<1x26xf32>
    %slice3A_114 = vector.extract_strided_slice %rsqrt3A_86 {offsets = [0, 0], sizes = [1, 1], strides = [1, 1]} : vector<26x1xf32> to vector<1x1xf32>
    %mul3A_115 = vector.broadcast %slice3A_114 : vector<1x1xf32> to vector<1x26xf32>
    %mul3A_116 = arith.mulf %mul3A_113, %mul3A_115 : vector<1x26xf32>
    %swap3A_117 = arith.constant 2 : index
    %swap3A_118 = arith.constant 64 : index
    %swap3A_119 = vector.load %arg10[%swap3A_117, %swap3A_118] : memref<8x256xf32, #tpu.memory_space<vmem>>, vector<1x26xf32>
    tpu.vector_store %arg10[%swap3A_117, %swap3A_118], %mul3A_116 {strides = array<i32>} : memref<8x256xf32, #tpu.memory_space<vmem>>, vector<1x26xf32>,
    %get3A_120 = arith.constant 3 : index
    %get3A_121 = arith.constant 0 : index
    %get3A_122 = arith.constant 0 : index
    %get3A_123 = vector.load %arg2[%get3A_120, %get3A_121, %get3A_122] : memref<8x26x26xf32, #tpu.memory_space<vmem>>, vector<1x26x26xf32>
    %get3A_124 = vector.shape_cast %get3A_123 : vector<1x26x26xf32> to vector<26x26xf32>
    %reduce_sum3A_125 = arith.constant dense<0.000000e+00> : vector<26xf32>
    %reduce_sum3A_126 = vector.multi_reduction <add>, %get3A_124, %reduce_sum3A_125 [1] : vector<26x26xf32> to vector<26xf32>
    %broadcast_in_dim3A_127 = vector.shape_cast %reduce_sum3A_126 : vector<26xf32> to vector<26x1xf32>
    %rsqrt3A_128 = math.rsqrt %broadcast_in_dim3A_127 : vector<26x1xf32>
    %reduce_sum3A_129 = arith.constant dense<0.000000e+00> : vector<26xf32>
    %reduce_sum3A_130 = vector.multi_reduction <add>, %get3A_124, %reduce_sum3A_129 [0] : vector<26x26xf32> to vector<26xf32>
    %broadcast_in_dim3A_131 = vector.shape_cast %reduce_sum3A_130 : vector<26xf32> to vector<1x26xf32>
    %rsqrt3A_132 = math.rsqrt %broadcast_in_dim3A_131 : vector<1x26xf32>
    %get3A_133 = arith.constant 3 : index
    %get3A_134 = arith.constant 0 : index
    %get3A_135 = arith.constant 0 : index
    %get3A_136 = vector.load %arg1[%get3A_133, %get3A_134, %get3A_135] : memref<8x26x128xf32, #tpu.memory_space<vmem>>, vector<1x26x128xf32>
    %get3A_137 = vector.shape_cast %get3A_136 : vector<1x26x128xf32> to vector<26x128xf32>
    %get3A_138 = arith.constant 0 : index
    %get3A_139 = arith.constant 0 : index
    %get3A_140 = vector.load %arg3[%get3A_138, %get3A_139] : memref<128x48xf32, #tpu.memory_space<vmem>>, vector<128x48xf32>
    %dot_general3A_141 = arith.constant dense<0.000000e+00> : vector<26x48xf32>
    %dot_general3A_142 = tpu.matmul %get3A_137, %get3A_140, %dot_general3A_141 {dimension_numbers = #tpu.dot_dimension_numbers<[1], [0], [0], [1], [0, 0, 1, 1], [], []>, transpose_lhs_hint = false} : vector<26x128xf32>, vector<128x48xf32>, vector<26x48xf32> -> vector<26x48xf32>
    %mul3A_143 = vector.broadcast %rsqrt3A_128 : vector<26x1xf32> to vector<26x48xf32>
    %mul3A_144 = arith.mulf %mul3A_143, %dot_general3A_142 : vector<26x48xf32>
    %swap3A_145 = arith.constant 96 : index
    %swap3A_146 = arith.constant 0 : index
    %swap3A_147 = vector.load %arg8[%swap3A_145, %swap3A_146] : memref<256x48xf32, #tpu.memory_space<vmem>>, vector<26x48xf32>
    tpu.vector_store %arg8[%swap3A_145, %swap3A_146], %mul3A_144 {strides = array<i32>} : memref<256x48xf32, #tpu.memory_space<vmem>>, vector<26x48xf32>,
    %swap3A_148 = arith.constant 96 : index
    %swap3A_149 = arith.constant 0 : index
    %swap3A_150 = vector.load %arg9[%swap3A_148, %swap3A_149] : memref<256x1xf32, #tpu.memory_space<vmem>>, vector<26x1xf32>
    tpu.vector_store %arg9[%swap3A_148, %swap3A_149], %rsqrt3A_128 {strides = array<i32>} : memref<256x1xf32, #tpu.memory_space<vmem>>, vector<26x1xf32>,
    %swap3A_151 = arith.constant 96 : index
    %swap3A_152 = arith.constant 96 : index
    %swap3A_153 = vector.load %arg7[%swap3A_151, %swap3A_152] : memref<256x256xf32, #tpu.memory_space<vmem>>, vector<26x26xf32>
    tpu.vector_store %arg7[%swap3A_151, %swap3A_152], %get3A_124 {strides = array<i32>} : memref<256x256xf32, #tpu.memory_space<vmem>>, vector<26x26xf32>,
    %slice3A_154 = vector.extract_strided_slice %get3A_124 {offsets = [0, 0], sizes = [1, 26], strides = [1, 1]} : vector<26x26xf32> to vector<1x26xf32>
    %mul3A_155 = arith.mulf %slice3A_154, %rsqrt3A_132 : vector<1x26xf32>
    %slice3A_156 = vector.extract_strided_slice %rsqrt3A_128 {offsets = [0, 0], sizes = [1, 1], strides = [1, 1]} : vector<26x1xf32> to vector<1x1xf32>
    %mul3A_157 = vector.broadcast %slice3A_156 : vector<1x1xf32> to vector<1x26xf32>
    %mul3A_158 = arith.mulf %mul3A_155, %mul3A_157 : vector<1x26xf32>
    %swap3A_159 = arith.constant 3 : index
    %swap3A_160 = arith.constant 96 : index
    %swap3A_161 = vector.load %arg10[%swap3A_159, %swap3A_160] : memref<8x256xf32, #tpu.memory_space<vmem>>, vector<1x26xf32>
    tpu.vector_store %arg10[%swap3A_159, %swap3A_160], %mul3A_158 {strides = array<i32>} : memref<8x256xf32, #tpu.memory_space<vmem>>, vector<1x26xf32>,
    %get3A_162 = arith.constant 4 : index
    %get3A_163 = arith.constant 0 : index
    %get3A_164 = arith.constant 0 : index
    %get3A_165 = vector.load %arg2[%get3A_162, %get3A_163, %get3A_164] : memref<8x26x26xf32, #tpu.memory_space<vmem>>, vector<1x26x26xf32>
    %get3A_166 = vector.shape_cast %get3A_165 : vector<1x26x26xf32> to vector<26x26xf32>
    %reduce_sum3A_167 = arith.constant dense<0.000000e+00> : vector<26xf32>
    %reduce_sum3A_168 = vector.multi_reduction <add>, %get3A_166, %reduce_sum3A_167 [1] : vector<26x26xf32> to vector<26xf32>
    %broadcast_in_dim3A_169 = vector.shape_cast %reduce_sum3A_168 : vector<26xf32> to vector<26x1xf32>
    %rsqrt3A_170 = math.rsqrt %broadcast_in_dim3A_169 : vector<26x1xf32>
    %reduce_sum3A_171 = arith.constant dense<0.000000e+00> : vector<26xf32>
    %reduce_sum3A_172 = vector.multi_reduction <add>, %get3A_166, %reduce_sum3A_171 [0] : vector<26x26xf32> to vector<26xf32>
    %broadcast_in_dim3A_173 = vector.shape_cast %reduce_sum3A_172 : vector<26xf32> to vector<1x26xf32>
    %rsqrt3A_174 = math.rsqrt %broadcast_in_dim3A_173 : vector<1x26xf32>
    %get3A_175 = arith.constant 4 : index
    %get3A_176 = arith.constant 0 : index
    %get3A_177 = arith.constant 0 : index
    %get3A_178 = vector.load %arg1[%get3A_175, %get3A_176, %get3A_177] : memref<8x26x128xf32, #tpu.memory_space<vmem>>, vector<1x26x128xf32>
    %get3A_179 = vector.shape_cast %get3A_178 : vector<1x26x128xf32> to vector<26x128xf32>
    %get3A_180 = arith.constant 0 : index
    %get3A_181 = arith.constant 0 : index
    %get3A_182 = vector.load %arg3[%get3A_180, %get3A_181] : memref<128x48xf32, #tpu.memory_space<vmem>>, vector<128x48xf32>
    %dot_general3A_183 = arith.constant dense<0.000000e+00> : vector<26x48xf32>
    %dot_general3A_184 = tpu.matmul %get3A_179, %get3A_182, %dot_general3A_183 {dimension_numbers = #tpu.dot_dimension_numbers<[1], [0], [0], [1], [0, 0, 1, 1], [], []>, transpose_lhs_hint = false} : vector<26x128xf32>, vector<128x48xf32>, vector<26x48xf32> -> vector<26x48xf32>
    %mul3A_185 = vector.broadcast %rsqrt3A_170 : vector<26x1xf32> to vector<26x48xf32>
    %mul3A_186 = arith.mulf %mul3A_185, %dot_general3A_184 : vector<26x48xf32>
    %swap3A_187 = arith.constant 128 : index
    %swap3A_188 = arith.constant 0 : index
    %swap3A_189 = vector.load %arg8[%swap3A_187, %swap3A_188] : memref<256x48xf32, #tpu.memory_space<vmem>>, vector<26x48xf32>
    tpu.vector_store %arg8[%swap3A_187, %swap3A_188], %mul3A_186 {strides = array<i32>} : memref<256x48xf32, #tpu.memory_space<vmem>>, vector<26x48xf32>,
    %swap3A_190 = arith.constant 128 : index
    %swap3A_191 = arith.constant 0 : index
    %swap3A_192 = vector.load %arg9[%swap3A_190, %swap3A_191] : memref<256x1xf32, #tpu.memory_space<vmem>>, vector<26x1xf32>
    tpu.vector_store %arg9[%swap3A_190, %swap3A_191], %rsqrt3A_170 {strides = array<i32>} : memref<256x1xf32, #tpu.memory_space<vmem>>, vector<26x1xf32>,
    %swap3A_193 = arith.constant 128 : index
    %swap3A_194 = arith.constant 128 : index
    %swap3A_195 = vector.load %arg7[%swap3A_193, %swap3A_194] : memref<256x256xf32, #tpu.memory_space<vmem>>, vector<26x26xf32>
    tpu.vector_store %arg7[%swap3A_193, %swap3A_194], %get3A_166 {strides = array<i32>} : memref<256x256xf32, #tpu.memory_space<vmem>>, vector<26x26xf32>,
    %slice3A_196 = vector.extract_strided_slice %get3A_166 {offsets = [0, 0], sizes = [1, 26], strides = [1, 1]} : vector<26x26xf32> to vector<1x26xf32>
    %mul3A_197 = arith.mulf %slice3A_196, %rsqrt3A_174 : vector<1x26xf32>
    %slice3A_198 = vector.extract_strided_slice %rsqrt3A_170 {offsets = [0, 0], sizes = [1, 1], strides = [1, 1]} : vector<26x1xf32> to vector<1x1xf32>
    %mul3A_199 = vector.broadcast %slice3A_198 : vector<1x1xf32> to vector<1x26xf32>
    %mul3A_200 = arith.mulf %mul3A_197, %mul3A_199 : vector<1x26xf32>
    %swap3A_201 = arith.constant 4 : index
    %swap3A_202 = arith.constant 128 : index
    %swap3A_203 = vector.load %arg10[%swap3A_201, %swap3A_202] : memref<8x256xf32, #tpu.memory_space<vmem>>, vector<1x26xf32>
    tpu.vector_store %arg10[%swap3A_201, %swap3A_202], %mul3A_200 {strides = array<i32>} : memref<8x256xf32, #tpu.memory_space<vmem>>, vector<1x26xf32>,
    %get3A_204 = arith.constant 5 : index
    %get3A_205 = arith.constant 0 : index
    %get3A_206 = arith.constant 0 : index
    %get3A_207 = vector.load %arg2[%get3A_204, %get3A_205, %get3A_206] : memref<8x26x26xf32, #tpu.memory_space<vmem>>, vector<1x26x26xf32>
    %get3A_208 = vector.shape_cast %get3A_207 : vector<1x26x26xf32> to vector<26x26xf32>
    %reduce_sum3A_209 = arith.constant dense<0.000000e+00> : vector<26xf32>
    %reduce_sum3A_210 = vector.multi_reduction <add>, %get3A_208, %reduce_sum3A_209 [1] : vector<26x26xf32> to vector<26xf32>
    %broadcast_in_dim3A_211 = vector.shape_cast %reduce_sum3A_210 : vector<26xf32> to vector<26x1xf32>
    %rsqrt3A_212 = math.rsqrt %broadcast_in_dim3A_211 : vector<26x1xf32>
    %reduce_sum3A_213 = arith.constant dense<0.000000e+00> : vector<26xf32>
    %reduce_sum3A_214 = vector.multi_reduction <add>, %get3A_208, %reduce_sum3A_213 [0] : vector<26x26xf32> to vector<26xf32>
    %broadcast_in_dim3A_215 = vector.shape_cast %reduce_sum3A_214 : vector<26xf32> to vector<1x26xf32>
    %rsqrt3A_216 = math.rsqrt %broadcast_in_dim3A_215 : vector<1x26xf32>
    %get3A_217 = arith.constant 5 : index
    %get3A_218 = arith.constant 0 : index
    %get3A_219 = arith.constant 0 : index
    %get3A_220 = vector.load %arg1[%get3A_217, %get3A_218, %get3A_219] : memref<8x26x128xf32, #tpu.memory_space<vmem>>, vector<1x26x128xf32>
    %get3A_221 = vector.shape_cast %get3A_220 : vector<1x26x128xf32> to vector<26x128xf32>
    %get3A_222 = arith.constant 0 : index
    %get3A_223 = arith.constant 0 : index
    %get3A_224 = vector.load %arg3[%get3A_222, %get3A_223] : memref<128x48xf32, #tpu.memory_space<vmem>>, vector<128x48xf32>
    %dot_general3A_225 = arith.constant dense<0.000000e+00> : vector<26x48xf32>
    %dot_general3A_226 = tpu.matmul %get3A_221, %get3A_224, %dot_general3A_225 {dimension_numbers = #tpu.dot_dimension_numbers<[1], [0], [0], [1], [0, 0, 1, 1], [], []>, transpose_lhs_hint = false} : vector<26x128xf32>, vector<128x48xf32>, vector<26x48xf32> -> vector<26x48xf32>
    %mul3A_227 = vector.broadcast %rsqrt3A_212 : vector<26x1xf32> to vector<26x48xf32>
    %mul3A_228 = arith.mulf %mul3A_227, %dot_general3A_226 : vector<26x48xf32>
    %swap3A_229 = arith.constant 160 : index
    %swap3A_230 = arith.constant 0 : index
    %swap3A_231 = vector.load %arg8[%swap3A_229, %swap3A_230] : memref<256x48xf32, #tpu.memory_space<vmem>>, vector<26x48xf32>
    tpu.vector_store %arg8[%swap3A_229, %swap3A_230], %mul3A_228 {strides = array<i32>} : memref<256x48xf32, #tpu.memory_space<vmem>>, vector<26x48xf32>,
    %swap3A_232 = arith.constant 160 : index
    %swap3A_233 = arith.constant 0 : index
    %swap3A_234 = vector.load %arg9[%swap3A_232, %swap3A_233] : memref<256x1xf32, #tpu.memory_space<vmem>>, vector<26x1xf32>
    tpu.vector_store %arg9[%swap3A_232, %swap3A_233], %rsqrt3A_212 {strides = array<i32>} : memref<256x1xf32, #tpu.memory_space<vmem>>, vector<26x1xf32>,
    %swap3A_235 = arith.constant 160 : index
    %swap3A_236 = arith.constant 160 : index
    %swap3A_237 = vector.load %arg7[%swap3A_235, %swap3A_236] : memref<256x256xf32, #tpu.memory_space<vmem>>, vector<26x26xf32>
    tpu.vector_store %arg7[%swap3A_235, %swap3A_236], %get3A_208 {strides = array<i32>} : memref<256x256xf32, #tpu.memory_space<vmem>>, vector<26x26xf32>,
    %slice3A_238 = vector.extract_strided_slice %get3A_208 {offsets = [0, 0], sizes = [1, 26], strides = [1, 1]} : vector<26x26xf32> to vector<1x26xf32>
    %mul3A_239 = arith.mulf %slice3A_238, %rsqrt3A_216 : vector<1x26xf32>
    %slice3A_240 = vector.extract_strided_slice %rsqrt3A_212 {offsets = [0, 0], sizes = [1, 1], strides = [1, 1]} : vector<26x1xf32> to vector<1x1xf32>
    %mul3A_241 = vector.broadcast %slice3A_240 : vector<1x1xf32> to vector<1x26xf32>
    %mul3A_242 = arith.mulf %mul3A_239, %mul3A_241 : vector<1x26xf32>
    %swap3A_243 = arith.constant 5 : index
    %swap3A_244 = arith.constant 160 : index
    %swap3A_245 = vector.load %arg10[%swap3A_243, %swap3A_244] : memref<8x256xf32, #tpu.memory_space<vmem>>, vector<1x26xf32>
    tpu.vector_store %arg10[%swap3A_243, %swap3A_244], %mul3A_242 {strides = array<i32>} : memref<8x256xf32, #tpu.memory_space<vmem>>, vector<1x26xf32>,
    %get3A_246 = arith.constant 6 : index
    %get3A_247 = arith.constant 0 : index
    %get3A_248 = arith.constant 0 : index
    %get3A_249 = vector.load %arg2[%get3A_246, %get3A_247, %get3A_248] : memref<8x26x26xf32, #tpu.memory_space<vmem>>, vector<1x26x26xf32>
    %get3A_250 = vector.shape_cast %get3A_249 : vector<1x26x26xf32> to vector<26x26xf32>
    %reduce_sum3A_251 = arith.constant dense<0.000000e+00> : vector<26xf32>
    %reduce_sum3A_252 = vector.multi_reduction <add>, %get3A_250, %reduce_sum3A_251 [1] : vector<26x26xf32> to vector<26xf32>
    %broadcast_in_dim3A_253 = vector.shape_cast %reduce_sum3A_252 : vector<26xf32> to vector<26x1xf32>
    %rsqrt3A_254 = math.rsqrt %broadcast_in_dim3A_253 : vector<26x1xf32>
    %reduce_sum3A_255 = arith.constant dense<0.000000e+00> : vector<26xf32>
    %reduce_sum3A_256 = vector.multi_reduction <add>, %get3A_250, %reduce_sum3A_255 [0] : vector<26x26xf32> to vector<26xf32>
    %broadcast_in_dim3A_257 = vector.shape_cast %reduce_sum3A_256 : vector<26xf32> to vector<1x26xf32>
    %rsqrt3A_258 = math.rsqrt %broadcast_in_dim3A_257 : vector<1x26xf32>
    %get3A_259 = arith.constant 6 : index
    %get3A_260 = arith.constant 0 : index
    %get3A_261 = arith.constant 0 : index
    %get3A_262 = vector.load %arg1[%get3A_259, %get3A_260, %get3A_261] : memref<8x26x128xf32, #tpu.memory_space<vmem>>, vector<1x26x128xf32>
    %get3A_263 = vector.shape_cast %get3A_262 : vector<1x26x128xf32> to vector<26x128xf32>
    %get3A_264 = arith.constant 0 : index
    %get3A_265 = arith.constant 0 : index
    %get3A_266 = vector.load %arg3[%get3A_264, %get3A_265] : memref<128x48xf32, #tpu.memory_space<vmem>>, vector<128x48xf32>
    %dot_general3A_267 = arith.constant dense<0.000000e+00> : vector<26x48xf32>
    %dot_general3A_268 = tpu.matmul %get3A_263, %get3A_266, %dot_general3A_267 {dimension_numbers = #tpu.dot_dimension_numbers<[1], [0], [0], [1], [0, 0, 1, 1], [], []>, transpose_lhs_hint = false} : vector<26x128xf32>, vector<128x48xf32>, vector<26x48xf32> -> vector<26x48xf32>
    %mul3A_269 = vector.broadcast %rsqrt3A_254 : vector<26x1xf32> to vector<26x48xf32>
    %mul3A_270 = arith.mulf %mul3A_269, %dot_general3A_268 : vector<26x48xf32>
    %swap3A_271 = arith.constant 192 : index
    %swap3A_272 = arith.constant 0 : index
    %swap3A_273 = vector.load %arg8[%swap3A_271, %swap3A_272] : memref<256x48xf32, #tpu.memory_space<vmem>>, vector<26x48xf32>
    tpu.vector_store %arg8[%swap3A_271, %swap3A_272], %mul3A_270 {strides = array<i32>} : memref<256x48xf32, #tpu.memory_space<vmem>>, vector<26x48xf32>,
    %swap3A_274 = arith.constant 192 : index
    %swap3A_275 = arith.constant 0 : index
    %swap3A_276 = vector.load %arg9[%swap3A_274, %swap3A_275] : memref<256x1xf32, #tpu.memory_space<vmem>>, vector<26x1xf32>
    tpu.vector_store %arg9[%swap3A_274, %swap3A_275], %rsqrt3A_254 {strides = array<i32>} : memref<256x1xf32, #tpu.memory_space<vmem>>, vector<26x1xf32>,
    %swap3A_277 = arith.constant 192 : index
    %swap3A_278 = arith.constant 192 : index
    %swap3A_279 = vector.load %arg7[%swap3A_277, %swap3A_278] : memref<256x256xf32, #tpu.memory_space<vmem>>, vector<26x26xf32>
    tpu.vector_store %arg7[%swap3A_277, %swap3A_278], %get3A_250 {strides = array<i32>} : memref<256x256xf32, #tpu.memory_space<vmem>>, vector<26x26xf32>,
    %slice3A_280 = vector.extract_strided_slice %get3A_250 {offsets = [0, 0], sizes = [1, 26], strides = [1, 1]} : vector<26x26xf32> to vector<1x26xf32>
    %mul3A_281 = arith.mulf %slice3A_280, %rsqrt3A_258 : vector<1x26xf32>
    %slice3A_282 = vector.extract_strided_slice %rsqrt3A_254 {offsets = [0, 0], sizes = [1, 1], strides = [1, 1]} : vector<26x1xf32> to vector<1x1xf32>
    %mul3A_283 = vector.broadcast %slice3A_282 : vector<1x1xf32> to vector<1x26xf32>
    %mul3A_284 = arith.mulf %mul3A_281, %mul3A_283 : vector<1x26xf32>
    %swap3A_285 = arith.constant 6 : index
    %swap3A_286 = arith.constant 192 : index
    %swap3A_287 = vector.load %arg10[%swap3A_285, %swap3A_286] : memref<8x256xf32, #tpu.memory_space<vmem>>, vector<1x26xf32>
    tpu.vector_store %arg10[%swap3A_285, %swap3A_286], %mul3A_284 {strides = array<i32>} : memref<8x256xf32, #tpu.memory_space<vmem>>, vector<1x26xf32>,
    %get3A_288 = arith.constant 7 : index
    %get3A_289 = arith.constant 0 : index
    %get3A_290 = arith.constant 0 : index
    %get3A_291 = vector.load %arg2[%get3A_288, %get3A_289, %get3A_290] : memref<8x26x26xf32, #tpu.memory_space<vmem>>, vector<1x26x26xf32>
    %get3A_292 = vector.shape_cast %get3A_291 : vector<1x26x26xf32> to vector<26x26xf32>
    %reduce_sum3A_293 = arith.constant dense<0.000000e+00> : vector<26xf32>
    %reduce_sum3A_294 = vector.multi_reduction <add>, %get3A_292, %reduce_sum3A_293 [1] : vector<26x26xf32> to vector<26xf32>
    %broadcast_in_dim3A_295 = vector.shape_cast %reduce_sum3A_294 : vector<26xf32> to vector<26x1xf32>
    %rsqrt3A_296 = math.rsqrt %broadcast_in_dim3A_295 : vector<26x1xf32>
    %reduce_sum3A_297 = arith.constant dense<0.000000e+00> : vector<26xf32>
    %reduce_sum3A_298 = vector.multi_reduction <add>, %get3A_292, %reduce_sum3A_297 [0] : vector<26x26xf32> to vector<26xf32>
    %broadcast_in_dim3A_299 = vector.shape_cast %reduce_sum3A_298 : vector<26xf32> to vector<1x26xf32>
    %rsqrt3A_300 = math.rsqrt %broadcast_in_dim3A_299 : vector<1x26xf32>
    %get3A_301 = arith.constant 7 : index
    %get3A_302 = arith.constant 0 : index
    %get3A_303 = arith.constant 0 : index
    %get3A_304 = vector.load %arg1[%get3A_301, %get3A_302, %get3A_303] : memref<8x26x128xf32, #tpu.memory_space<vmem>>, vector<1x26x128xf32>
    %get3A_305 = vector.shape_cast %get3A_304 : vector<1x26x128xf32> to vector<26x128xf32>
    %get3A_306 = arith.constant 0 : index
    %get3A_307 = arith.constant 0 : index
    %get3A_308 = vector.load %arg3[%get3A_306, %get3A_307] : memref<128x48xf32, #tpu.memory_space<vmem>>, vector<128x48xf32>
    %dot_general3A_309 = arith.constant dense<0.000000e+00> : vector<26x48xf32>
    %dot_general3A_310 = tpu.matmul %get3A_305, %get3A_308, %dot_general3A_309 {dimension_numbers = #tpu.dot_dimension_numbers<[1], [0], [0], [1], [0, 0, 1, 1], [], []>, transpose_lhs_hint = false} : vector<26x128xf32>, vector<128x48xf32>, vector<26x48xf32> -> vector<26x48xf32>
    %mul3A_311 = vector.broadcast %rsqrt3A_296 : vector<26x1xf32> to vector<26x48xf32>
    %mul3A_312 = arith.mulf %mul3A_311, %dot_general3A_310 : vector<26x48xf32>
    %swap3A_313 = arith.constant 224 : index
    %swap3A_314 = arith.constant 0 : index
    %swap3A_315 = vector.load %arg8[%swap3A_313, %swap3A_314] : memref<256x48xf32, #tpu.memory_space<vmem>>, vector<26x48xf32>
    tpu.vector_store %arg8[%swap3A_313, %swap3A_314], %mul3A_312 {strides = array<i32>} : memref<256x48xf32, #tpu.memory_space<vmem>>, vector<26x48xf32>,
    %swap3A_316 = arith.constant 224 : index
    %swap3A_317 = arith.constant 0 : index
    %swap3A_318 = vector.load %arg9[%swap3A_316, %swap3A_317] : memref<256x1xf32, #tpu.memory_space<vmem>>, vector<26x1xf32>
    tpu.vector_store %arg9[%swap3A_316, %swap3A_317], %rsqrt3A_296 {strides = array<i32>} : memref<256x1xf32, #tpu.memory_space<vmem>>, vector<26x1xf32>,
    %swap3A_319 = arith.constant 224 : index
    %swap3A_320 = arith.constant 224 : index
    %swap3A_321 = vector.load %arg7[%swap3A_319, %swap3A_320] : memref<256x256xf32, #tpu.memory_space<vmem>>, vector<26x26xf32>
    tpu.vector_store %arg7[%swap3A_319, %swap3A_320], %get3A_292 {strides = array<i32>} : memref<256x256xf32, #tpu.memory_space<vmem>>, vector<26x26xf32>,
    %slice3A_322 = vector.extract_strided_slice %get3A_292 {offsets = [0, 0], sizes = [1, 26], strides = [1, 1]} : vector<26x26xf32> to vector<1x26xf32>
    %mul3A_323 = arith.mulf %slice3A_322, %rsqrt3A_300 : vector<1x26xf32>
    %slice3A_324 = vector.extract_strided_slice %rsqrt3A_296 {offsets = [0, 0], sizes = [1, 1], strides = [1, 1]} : vector<26x1xf32> to vector<1x1xf32>
    %mul3A_325 = vector.broadcast %slice3A_324 : vector<1x1xf32> to vector<1x26xf32>
    %mul3A_326 = arith.mulf %mul3A_323, %mul3A_325 : vector<1x26xf32>
    %swap3A_327 = arith.constant 7 : index
    %swap3A_328 = arith.constant 224 : index
    %swap3A_329 = vector.load %arg10[%swap3A_327, %swap3A_328] : memref<8x256xf32, #tpu.memory_space<vmem>>, vector<1x26xf32>
    tpu.vector_store %arg10[%swap3A_327, %swap3A_328], %mul3A_326 {strides = array<i32>} : memref<8x256xf32, #tpu.memory_space<vmem>>, vector<1x26xf32>,
    %get3A_330 = arith.constant 0 : index
    %get3A_331 = arith.constant 0 : index
    %get3A_332 = vector.load %arg9[%get3A_330, %get3A_331] : memref<256x1xf32, #tpu.memory_space<vmem>>, vector<256x1xf32>
    %get3A_333 = arith.constant 0 : index
    %get3A_334 = arith.constant 0 : index
    %get3A_335 = vector.load %arg7[%get3A_333, %get3A_334] : memref<256x256xf32, #tpu.memory_space<vmem>>, vector<256x256xf32>
    %get3A_336 = arith.constant 0 : index
    %get3A_337 = arith.constant 0 : index
    %get3A_338 = vector.load %arg8[%get3A_336, %get3A_337] : memref<256x48xf32, #tpu.memory_space<vmem>>, vector<256x48xf32>
    %dot_general3A_339 = arith.constant dense<0.000000e+00> : vector<256x48xf32>
    %dot_general3A_340 = tpu.matmul %get3A_335, %get3A_338, %dot_general3A_339 {dimension_numbers = #tpu.dot_dimension_numbers<[1], [0], [0], [1], [0, 0, 1, 1], [], []>, precision = #tpu.contract_precision<fp32>, transpose_lhs_hint = false} : vector<256x256xf32>, vector<256x48xf32>, vector<256x48xf32> -> vector<256x48xf32>
    %mul3A_341 = vector.broadcast %get3A_332 : vector<256x1xf32> to vector<256x48xf32>
    %mul3A_342 = arith.mulf %dot_general3A_340, %mul3A_341 : vector<256x48xf32>
    %max3A = arith.constant 0.000000e+00 : f32
    %max3A_343 = vector.broadcast %max3A : f32 to vector<256x48xf32>
    %max3A_344 = arith.maximumf %mul3A_342, %max3A_343 : vector<256x48xf32>
    %get3A_345 = arith.constant 0 : index
    %get3A_346 = arith.constant 0 : index
    %get3A_347 = vector.load %arg4[%get3A_345, %get3A_346] : memref<48x60xf32, #tpu.memory_space<vmem>>, vector<48x60xf32>
    %dot_general3A_348 = arith.constant dense<0.000000e+00> : vector<256x60xf32>
    %dot_general3A_349 = tpu.matmul %max3A_344, %get3A_347, %dot_general3A_348 {dimension_numbers = #tpu.dot_dimension_numbers<[1], [0], [0], [1], [0, 0, 1, 1], [], []>, transpose_lhs_hint = false} : vector<256x48xf32>, vector<48x60xf32>, vector<256x60xf32> -> vector<256x60xf32>
    %get3A_350 = arith.constant 0 : index
    %get3A_351 = arith.constant 0 : index
    %get3A_352 = vector.load %arg10[%get3A_350, %get3A_351] : memref<8x256xf32, #tpu.memory_space<vmem>>, vector<8x256xf32>
    %dot_general3A_353 = arith.constant dense<0.000000e+00> : vector<8x60xf32>
    %dot_general3A_354 = tpu.matmul %get3A_352, %dot_general3A_349, %dot_general3A_353 {dimension_numbers = #tpu.dot_dimension_numbers<[1], [0], [0], [1], [0, 0, 1, 1], [], []>, precision = #tpu.contract_precision<fp32>, transpose_lhs_hint = false} : vector<8x256xf32>, vector<256x60xf32>, vector<8x60xf32> -> vector<8x60xf32>
    %max3A_355 = arith.constant 0.000000e+00 : f32
    %max3A_356 = vector.broadcast %max3A_355 : f32 to vector<8x60xf32>
    %max3A_357 = arith.maximumf %dot_general3A_354, %max3A_356 : vector<8x60xf32>
    %get3A_358 = arith.constant 0 : index
    %get3A_359 = arith.constant 0 : index
    %get3A_360 = vector.load %arg5[%get3A_358, %get3A_359] : memref<60x1xf32, #tpu.memory_space<vmem>>, vector<60x1xf32>
    %dot_general3A_361 = arith.constant dense<0.000000e+00> : vector<8x1xf32>
    %dot_general3A_362 = tpu.matmul %max3A_357, %get3A_360, %dot_general3A_361 {dimension_numbers = #tpu.dot_dimension_numbers<[1], [0], [0], [1], [0, 0, 1, 1], [], []>, transpose_lhs_hint = false} : vector<8x60xf32>, vector<60x1xf32>, vector<8x1xf32> -> vector<8x1xf32>
    %max3A_363 = arith.constant 0.000000e+00 : f32
    %max3A_364 = vector.broadcast %max3A_363 : f32 to vector<8x1xf32>
    %max3A_365 = arith.maximumf %dot_general3A_362, %max3A_364 : vector<8x1xf32>
    %reshape3A = vector.shape_cast %max3A_365 : vector<8x1xf32> to vector<8x1x1xf32>
    %swap3A_366 = arith.constant 0 : index
    %swap3A_367 = arith.constant 0 : index
    %swap3A_368 = arith.constant 0 : index
    %swap3A_369 = vector.load %arg6[%swap3A_366, %swap3A_367, %swap3A_368] : memref<8x1x1xf32, #tpu.memory_space<vmem>>, vector<8x1x1xf32>
    tpu.vector_store %arg6[%swap3A_366, %swap3A_367, %swap3A_368], %reshape3A {strides = array<i32>} : memref<8x1x1xf32, #tpu.memory_space<vmem>>, vector<8x1x1xf32>,
    return
  }
  func.func @transform_0(%arg0: i32) -> (i32, i32, i32) {
    %c0_i32 = arith.constant 0 : i32
    %c0_i32_0 = arith.constant 0 : i32
    %c0_i32_1 = arith.constant 0 : i32
    return %arg0, %c0_i32, %c0_i32_0 : i32, i32, i32
  }
  func.func @transform_1(%arg0: i32) -> (i32, i32, i32) {
    %c0_i32 = arith.constant 0 : i32
    %c0_i32_0 = arith.constant 0 : i32
    %c0_i32_1 = arith.constant 0 : i32
    return %arg0, %c0_i32, %c0_i32_0 : i32, i32, i32
  }
  func.func @transform_2(%arg0: i32) -> (i32, i32) {
    %c0_i32 = arith.constant 0 : i32
    %c0_i32_0 = arith.constant 0 : i32
    %c0_i32_1 = arith.constant 0 : i32
    return %c0_i32, %c0_i32_0 : i32, i32
  }
  func.func @transform_3(%arg0: i32) -> (i32, i32) {
    %c0_i32 = arith.constant 0 : i32
    %c0_i32_0 = arith.constant 0 : i32
    %c0_i32_1 = arith.constant 0 : i32
    return %c0_i32, %c0_i32_0 : i32, i32
  }
  func.func @transform_4(%arg0: i32) -> (i32, i32) {
    %c0_i32 = arith.constant 0 : i32
    %c0_i32_0 = arith.constant 0 : i32
    %c0_i32_1 = arith.constant 0 : i32
    return %c0_i32, %c0_i32_0 : i32, i32
  }
  func.func @transform_5(%arg0: i32) -> (i32, i32, i32) {
    %c0_i32 = arith.constant 0 : i32
    %c0_i32_0 = arith.constant 0 : i32
    %c0_i32_1 = arith.constant 0 : i32
    return %arg0, %c0_i32, %c0_i32_0 : i32, i32, i32
  }
}

</mosaic_0001>

<sc_bundles>
// kernel: kernel.5.cloned.1.call-start
scs
__scs_entry_jumppad:
0x0: {  	(pc) =	sbr.rel $0x88, $3  }
0x1: {  	(tag) =	ssettag $0x0;
	lr =	simm.s32 $0x1  }
0x2: {  	[smem:$0x3F9B] =	sst lr;
	_ =	strace $0xD0000000  }
0x3: {  	_ = 	snop  }
0x4: {  	_ = 	snop  }
0x5: {  	_ = 	snop  }
0x6: {  	_ = 	snop  }
0x7: {  	_ = 	snop  }
__scs_overlays_trampoline_lowered:
0x8: {  	[smem:$0x3FAA] =	sst s0  }
0x9: {  	[smem:$0x3FAB] =	sst s1  }
0xa: {  	[smem:$0x3FAC] =	sst s2  }
0xb: {  	[smem:$0x3FAD] =	sst s3  }
0xc: {  	[smem:$0x3FAE] =	sst s4  }
0xd: {  	[smem:$0x3FAF] =	sst s5  }
0xe: {  	[smem:$0x3FB0] =	sst s6  }
0xf: {  	[smem:$0x3FB1] =	sst s7  }
0x10: {  	[smem:$0x3FB2] =	sst s8  }
0x11: {  	[smem:$0x3FB3] =	sst s9;
	s0 =	simm.s32 @!p0 $0x0  }
0x12: {  	s1 =	sld [smem:$0x3F99];
	s0 =	simm.s32 @p0 $0x1  }
0x13: {  	[smem:$0x3FB4] =	sst s0;
	s0 =	simm.s32 @!p1 $0x0  }
0x14: {  	s2 =	sld [smem:$0x3F98];
	s0 =	simm.s32 @p1 $0x1  }
0x15: {  	[smem:$0x3FB5] =	sst s0;
	s0 =	simm.s32 @!p2 $0x0  }
0x16: {  	s3 =	sld [smem:$0x3FDB];
	s0 =	simm.s32 @p2 $0x1  }
0x17: {  	s4 =	simm.s32 $0x1BF5;
	[smem:$0x3FB7] =	sst s0  }
0x18: {  	s0 =	sld [smem:$0x3F9A];
	_ =	swait.ge [sflag:s4], $0x0  }
0x19: {  	s7 =	sld [smem:$0x3F9B]  }
0x1a: {  	s8 =	sadd.s32 $0xFFFFE003, lr  }
0x1b: {  	s9 =	sadd.s32 $0xFFFFFEF7, lr;
	s5 =	simm.s32 $0xFFFFFFFF;
	p2 =	slt.u32 s8, $0xFFFFF086  }
0x1c: {  	p1 =	slt.u32 s9, $0xF7A;
	s5 =	simm.s32 @!p2 $0x0  }
0x1d: {  	s5 =	simm.s32 @p1 $0x1;
	p0 =	seq.s32 s7, s2  }
0x1e: {  	s7 =	smul.u32 @!p0 $0xF7A, s2;
	p2 =	seq.s32 @!p0 s5, $0x0  }
0x1f: {  	s9 =	smul.u32 $0xF7A, s1;
	s8 =	simm.s32 @!p0 $0x1BF5;
	p2 =	por !p2, p0  }
0x20: {  	[sflag:s8] =	ssyncset.s32 @!p0 $0xFFFFF086;
	s6 =	sadd.s32 @!p0 s3, s7;
	s7 =	simm.s32 @!p0 $0x108  }
0x21: {  	s3 =	sadd.s32 s3, s9;
	s6 =	sadd.s32 @!p0 $0x88, s6;
	s7 =	simm.s32 @p2 $0x1082  }
0x22: {  	[simem:s7], [sflag:s8] =	dma.local @!p0 [hbm:s6], $0xF7A  }
0x23: {  	s9 =	sor.u32 $0xD0000000, s2;
	s6 =	simm.s32 $0x108;
	_ =	swait.ge @!p0 [sflag:s8], $0x0  }
0x24: {  	s3 =	sadd.s32 $0x88, s3;
	s6 =	simm.s32 @!p1 $0x1082;
	[sflag:s4] =	ssyncset.s32 $0xFFFFF086  }
0x25: {  	[simem:s6], [sflag:s4] =	dma.local [hbm:s3], $0xF7A  }
0x26: {  	[smem:$0x3F9B] =	sst s1;
	(tag) =	ssettag s2;
	_ =	strace s9  }
0x27: {  	s1 =	sld [smem:$0x3FAB]  }
0x28: {  	s2 =	sld [smem:$0x3FAC]  }
0x29: {  	s4 =	sld [smem:$0x3FAE]  }
0x2a: {  	p0 =	seq.s32 s5, $0x0;
	s5 =	sld [smem:$0x3FAF]  }
0x2b: {  	s6 =	sld [smem:$0x3FB0]  }
0x2c: {  	s7 =	sld [smem:$0x3FB1]  }
0x2d: {  	s3 =	simm.s32 $0x108;
	s8 =	sld [smem:$0x3FB2]  }
0x2e: {  	s3 =	simm.s32 @!p0 $0x1082;
	s9 =	sld [smem:$0x3FB3]  }
0x2f: {  	lr =	sadd.s32 s0, s3;
	s0 =	sld [smem:$0x3FAA]  }
0x30: {  	s3 =	sld [smem:$0x3FAD]  }
0x31: {  	[smem:$0x3FB6] =	sst s10  }
0x32: {  	s10 =	sld [smem:$0x3FB4];
	_ =	sdelay $0x3  }
0x33: {  	p0 =	seq.s32 s10, $0x1;
	s10 =	sld [smem:$0x3FB6];
	_ =	sdelay $0x3  }
0x34: {  	[smem:$0x3FB6] =	sst s10  }
0x35: {  	s10 =	sld [smem:$0x3FB5];
	_ =	sdelay $0x3  }
0x36: {  	p1 =	seq.s32 s10, $0x1;
	s10 =	sld [smem:$0x3FB6];
	_ =	sdelay $0x3  }
0x37: {  	[smem:$0x3FB6] =	sst s10  }
0x38: {  	s10 =	sld [smem:$0x3FB7]  }
0x39: {  	_ = 	snop;
	(pc) =	sbr.ind lr, $3  }
0x3a: {  	_ = 	snop  }
0x3b: {  	_ = 	snop  }
0x3c: {  	p2 =	seq.s32 s10, $0x1;
	s10 =	sld [smem:$0x3FB6]  }
0x3d: {  	_ =	shalt  }
0x3e: {  	_ =	shalt  }
0x3f: {  	_ =	shalt  }
0x40: {  	_ =	shalt  }
0x41: {  	_ =	shalt  }
0x42: {  	_ =	shalt  }
0x43: {  	_ =	shalt  }
0x44: {  	_ =	shalt  }
0x45: {  	_ =	shalt  }
0x46: {  	_ =	shalt  }
0x47: {  	_ =	shalt  }
0x48: {  	_ =	shalt  }
0x49: {  	_ =	shalt  }
0x4a: {  	_ =	shalt  }
0x4b: {  	_ =	shalt  }
0x4c: {  	_ =	shalt  }
0x4d: {  	_ =	shalt  }
0x4e: {  	_ =	shalt  }
0x4f: {  	_ =	shalt  }
0x50: {  	_ =	shalt  }
0x51: {  	_ =	shalt  }
0x52: {  	_ =	shalt  }
0x53: {  	_ =	shalt  }
0x54: {  	_ =	shalt  }
0x55: {  	_ =	shalt  }
0x56: {  	_ =	shalt  }
0x57: {  	_ =	shalt  }
0x58: {  	_ =	shalt  }
0x59: {  	_ =	shalt  }
0x5a: {  	_ =	shalt  }
0x5b: {  	_ =	shalt  }
0x5c: {  	_ =	shalt  }
0x5d: {  	_ =	shalt  }
0x5e: {  	_ =	shalt  }
0x5f: {  	_ =	shalt  }
0x60: {  	_ =	shalt  }
0x61: {  	_ =	shalt  }
0x62: {  	_ =	shalt  }
0x63: {  	_ =	shalt  }
0x64: {  	_ =	shalt  }
0x65: {  	_ =	shalt  }
0x66: {  	_ =	shalt  }
0x67: {  	_ =	shalt  }
0x68: {  	_ =	shalt  }
0x69: {  	_ =	shalt  }
0x6a: {  	_ =	shalt  }
0x6b: {  	_ =	shalt  }
0x6c: {  	_ =	shalt  }
0x6d: {  	_ =	shalt  }
0x6e: {  	_ =	shalt  }
0x6f: {  	_ =	shalt  }
0x70: {  	_ =	shalt  }
0x71: {  	_ =	shalt  }
0x72: {  	_ =	shalt  }
0x73: {  	_ =	shalt  }
0x74: {  	_ =	shalt  }
0x75: {  	_ =	shalt  }
0x76: {  	_ =	shalt  }
0x77: {  	_ =	shalt  }
0x78: {  	_ =	shalt  }
0x79: {  	_ =	shalt  }
0x7a: {  	_ =	shalt  }
0x7b: {  	_ =	shalt  }
0x7c: {  	_ =	shalt  }
0x7d: {  	_ =	shalt  }
0x7e: {  	_ =	shalt  }
0x7f: {  	_ =	shalt  }
0x80: {  	_ =	shalt  }
0x81: {  	_ =	shalt  }
0x82: {  	_ =	shalt  }
0x83: {  	_ =	shalt  }
0x84: {  	_ =	shalt  }
0x85: {  	_ =	shalt  }
0x86: {  	_ =	shalt  }
0x87: {  	_ =	shalt  }
.Lfunc_end0:
.L_simem_size_0:
called_computation_lowered:
.L_overlay_start_0:
0x88: {  	s2 =	sld [smem:$0x3FD9]  }
0x89: {  	s3 =	sld [smem:$0x3FFE];
	_ =	sdelay $0x1  }
0x8a: {  	s1 =	srdreg.scid  }
0x8b: {  	s0 =	sand.u32 $0x1, s1  }
0x8c: {  	s17 =	sshll.u32 s0, $0xA;
	s2 =	sadd.s32 s3, s2  }
0x8d: {  	s2 =	sadd.s32 s2, s17  }
0x8e: {  	[smem:$0x3FC2] =	sst s2  }
0x8f: {  	_ = 	snop  }
0x90: {  	s2 =	sld [smem:$0x3FC9];
	(tm) =	ssettm $0x1  }
0x91: {  	s18 =	sld [smem:$0x3FFB];
	_ =	sdelay $0x3  }
0x92: {  	_ =	strace s18  }
0x93: {  	s3 =	sld [smem:$0x3FFC];
	_ =	sdelay $0x3  }
0x94: {  	_ =	strace s3  }
0x95: {  	s3 =	sld [smem:$0x3FFD];
	_ =	sdelay $0x3  }
0x96: {  	_ =	strace s3  }
0x97: {  	_ =	strace $0x8FFFFFFF  }
0x98: {  	s19 =	sld [smem:$0x3FDB];
	_ =	sdelay $0x1  }
0x99: {  	s4 =	simm.s32 $_scs_section_size  }
0x9a: {  	s5 =	simm.s32 $_size__tile_overlayer_lowered;
	s6 =	simm.s32 $_tile_overlayer_lowered  }
0x9b: {  	s22 =	simm.s32 $0x1BFF;
	s21 =	sshll.u32 s6, $0x1;
	s3 =	sadd.s32 s4, s19  }
0x9c: {  	s7 =	simm.s32 $0x0;
	s20 =	sshll.u32 s5, $0x1;
	s5 =	sadd.s32 s21, s3  }
0x9d: {  	[timem:s7], [sflag:s22] =	dma.local [hbm:s5], s20  }
0x9e: {  	_ =	swait.ge [sflag:s22], s20  }
0x9f: {  	s4 =	ssub.s32 $0x0, s20;
	[sflag:s22] =	ssyncset.done $0x0  }
0xa0: {  	[sflag:s22] =	ssyncadd.s32 s4;
	_ =	sdelay $0x1  }
0xa1: {  	s23 =	simm.s32 $0x1B8B  }
0xa2: {  	_ =	swait.ge [sflag:s23], $0x1  }
0xa3: {  	[sflag:s23] =	ssyncset.done $0x0  }
0xa4: {  	s25 =	simm.s32 $0x1B8E;
	s24 =	sld [smem:$0x3FFE];
	[sflag:s23] =	ssyncadd.s32 $0xFFFFFFFF  }
0xa5: {  	s26 =	simm.s32 $execute0_lowered;
	[smem:$0x3FD2] =	sst s25  }
0xa6: {  	s5 =	sshll.u32 s26, $0x1;
	_ =	strace $0x80000046;
	[dreg:$0x1] =	wrdreg $0xFFFFFFFF  }
0xa7: {  	s28 =	simm.s32 $_size_execute0_lowered;
	s3 =	sadd.s32 s3, s5;
	[dreg:$0x0] =	wrdreg $0x0  }
0xa8: {  	s5 =	sshll.u32 s28, $0x1;
	[dreg:$0x2] =	wrdreg s3  }
0xa9: {  	[dreg:$0x3] =	wrdreg s5  }
0xaa: {  	[dreg:$0x4] =	wrdreg $0xC0  }
0xab: {  	_ =	task [dreg:s7], $0x5FFFF  }
0xac: {  	[dreg:$0x1] =	wrdreg $0xFFFFFFFF  }
0xad: {  	[dreg:$0x0] =	wrdreg $0x60  }
0xae: {  	[dreg:$0x2] =	wrdreg s24  }
0xaf: {  	[dreg:$0x3] =	wrdreg s2  }
0xb0: {  	[dreg:$0x4] =	wrdreg $0x9  }
0xb1: {  	_ =	task.clear_ibuf [dreg:s7], $0x5FFFF;
	_ =	strace $0x90000046  }
0xb2: {  	s29 =	simm.s32 $0x9;
	_ =	strace $0x80000048  }
0xb3: {  	_ =	swait.ge [sflag:s29], $0x1  }
0xb4: {  	[sflag:s29] =	ssyncadd.s32 $0xFFFFFFFF  }
0xb5: {  	_ =	strace $0x90000048  }
0xb6: {  	_ =	sfence  }
0xb7: {  	s30 =	sld [smem:$0x0];
	_ =	sdelay $0x2  }
0xb8: {  	s31 =	sshll.u32 s1, $0xD;
	s1 =	sshrl.u32 s1, $0x2  }
0xb9: {  	s3 =	sand.u32 $0x4000, s31;
	s1 =	sadd.s32 s1, s30  }
0xba: {  	s0 =	sor.u32 s3, s0;
	s1 =	sshll.u32 s1, $0x11  }
0xbb: {  	s0 =	sor.u32 s1, s0  }
0xbc: {  	s0 =	sadd.s32 $0x8F2B, s0  }
0xbd: {  	[sflag:s0] =	ssyncadd.remote.s32 $0x1  }
0xbe: {  	_ =	sfence.sel $0xFFFF  }
0xbf: {  	[dreg:$0x0] =	wrdreg $0xFFFFFFFF;
	(pc) =	sbr.abs _section_cstart, $3  }
0xc0: {  	[dreg:$0x1] =	wrdreg $0xFFFFFFFF  }
0xc1: {  	_ =	task.clear_ibuf [dreg:s7], $0x2FFFF;
	_ =	strace $0x9FFFFFFF  }
0xc2: {  	(tm) =	ssettm $0x7FFFFFFF  }
0xc3: {  	_ =	shalt  }
tec
execute0_lowered:
.L_overlay_start_1:
0x0: {  	(tag) =	ssettag $0x1  }
0x1: {  	s13 =	rddreg [dreg:$0x0]  }
0x2: {  	s1 =	srdreg.scid;
	s0 =	stileid.u32  }
0x3: {  	s3 =	rddreg [dreg:$0x1];
	s14 =	sand.u32 $0x1, s1;
	s4 =	sshll.u32 s0, $0x1  }
0x4: {  	s2 =	simm.s32 $0x0;
	s1 =	rddreg [dreg:$0x2];
	s15 =	sor.u32 s14, s4  }
0x5: {  	[smem:$0x7FF] =	sst s2;
	s4 =	sshll.u32 s15, $0x2  }
0x6: {  	_ =	strace $0x80000047;
	s4 =	sadd.s32 s3, s4;
	s3 =	simm.s32 $0x2  }
0x7: {  	[tilespmem:s2], [sflag:$0x2] =	stream.linear.gather [hbm4b:s4+s2], $0x20, $0x38;
	[tilespmem:$0x10420] =	vst v63  }
0x8: {  	_ =	swait.ge [sflag:s3], $0x20  }
0x9: {  	s6 =	simm.s32 $0x10;
	s7 =	simm.s32 $0xD020;
	[sflag:s3] =	ssyncset.done $0x0  }
0xa: {  	s8 =	simm.s32 $0x1;
	s5 =	sadd.s32 $0xC00, s13;
	[sflag:s3] =	ssyncadd.s32 $0xFFFFFFE0  }
0xb: {  	[tilespmem:s7], [sflag:$0x1] =	stream.indirect.gather [hbm4b:s5+s6], $0x2A4, s2, s6, $0xb8;
	[tilespmem:$0x10420] =	vst v63  }
0xc: {  	s9 =	smul.u32 $0xD00, s15;
	_ =	swait.ge [sflag:s8], $0x2A40  }
0xd: {  	s10 =	sadd.s32 $0x68C00, s13;
	[sflag:s8] =	ssyncset.done $0x0  }
0xe: {  	s9 =	sadd.s32 s10, s9;
	[sflag:s8] =	ssyncadd.s32 $0xFFFFD5C0  }
0xf: {  	[hbm4b:s9+s2] =	stream.linear.scatter [tilespmem:s7], [sflag:$0x2], $0x3400, $0x38;
	[tilespmem:$0x10420] =	vst v63  }
0x10: {  	_ =	swait.ge [sflag:s3], $0x3400  }
0x11: {  	s11 =	sshll.u32 s15, $0x5;
	[sflag:s3] =	ssyncset.done $0x0  }
0x12: {  	s16 =	sor.u32 $0x10, s11;
	[sflag:s3] =	ssyncadd.s32 $0xFFFFCC00  }
0x13: {  	[tilespmem:s7], [sflag:$0x1] =	stream.indirect.gather [hbm4b:s5+s6], $0x2A4, s6, s6, $0xb8;
	[tilespmem:$0x10420] =	vst v63  }
0x14: {  	s11 =	smul.u32 $0x68, s16;
	_ =	swait.ge [sflag:s8], $0x2A40  }
0x15: {  	[sflag:s8] =	ssyncset.done $0x0  }
0x16: {  	s10 =	sadd.s32 s10, s11;
	[sflag:s8] =	ssyncadd.s32 $0xFFFFD5C0  }
0x17: {  	[hbm4b:s10+s2] =	stream.linear.scatter [tilespmem:s7], [sflag:$0x2], $0x3400, $0x38;
	[tilespmem:$0x10420] =	vst v63  }
0x18: {  	_ =	swait.ge [sflag:s3], $0x3400  }
0x19: {  	[sflag:s3] =	ssyncset.done $0x0  }
0x1a: {  	s12 =	simm.s32 $0x20;
	s11 =	sadd.s32 $0x268C00, s13;
	[sflag:s3] =	ssyncadd.s32 $0xFFFFCC00  }
0x1b: {  	[tilespmem:s12], [sflag:$0x1] =	stream.indirect.gather [hbm4b:s11+s6], $0xD00, s2, s6, $0xb8;
	[tilespmem:$0x10420] =	vst v63  }
0x1c: {  	s15 =	smul.u32 $0x3400, s15;
	_ =	swait.ge [sflag:s8], $0xD000  }
0x1d: {  	s17 =	sadd.s32 $0x82C00, s13;
	[sflag:s8] =	ssyncset.done $0x0  }
0x1e: {  	s14 =	ssub.s32 $0x2, s14;
	s13 =	sadd.s32 s17, s15;
	[sflag:s8] =	ssyncadd.s32 $0xFFFF3000  }
0x1f: {  	[hbm4b:s13+s2] =	stream.linear.scatter [tilespmem:s12], [sflag:$0x2], $0xD000, $0x38;
	[tilespmem:$0x10420] =	vst v63  }
0x20: {  	s31 =	sshrl.u32 s14, $0x1;
	_ =	swait.ge [sflag:s3], $0xD000  }
0x21: {  	s15 =	ssub.s32 s14, s31;
	[sflag:s3] =	ssyncset.done $0x0  }
0x22: {  	s15 =	smax.u32 s15, $0x1;
	[sflag:s3] =	ssyncadd.s32 $0xFFFF3000  }
0x23: {  	[tilespmem:s12], [sflag:$0x1] =	stream.indirect.gather [hbm4b:s11+s6], $0xD00, s6, s6, $0xb8;
	[tilespmem:$0x10420] =	vst v63  }
0x24: {  	s16 =	smul.u32 $0x1A0, s16;
	p0 =	sne.s32 s15, $0x1;
	_ =	swait.ge [sflag:s8], $0xD000  }
.Ltmp0:
0x25: {  	[sflag:s8] =	ssyncset.done $0x0;
	(pc) =	sbr.rel @!p0 .LBB2_2-.Ltmp0, $4  }
0x26: {  	s14 =	sadd.s32 s17, s16;
	[sflag:s8] =	ssyncadd.s32 $0xFFFF3000  }
0x27: {  	[hbm4b:s14+s2] =	stream.linear.scatter [tilespmem:s12], [sflag:$0x2], $0xD000, $0x38;
	[tilespmem:$0x10420] =	vst v63  }
0x28: {  	_ =	swait.ge [sflag:s3], $0xD000  }
0x29: {  	s15 =	sadd.s32 $0xFFFFFFFF, s15;
	[sflag:s3] =	ssyncset.done $0x0  }
.LBB2_1:
0x2a: {  	p0 =	sne.s32 s15, $0x1;
	s15 =	sadd.s32 $0xFFFFFFFF, s15;
	[sflag:s3] =	ssyncadd.s32 $0xFFFF3000  }
0x2b: {  	[tilespmem:s2], [sflag:$0x2] =	stream.linear.gather [hbm4b:s4+s2], $0x20, $0x38;
	[tilespmem:$0x10420] =	vst v63  }
0x2c: {  	_ =	swait.ge [sflag:s3], $0x20  }
0x2d: {  	[sflag:s3] =	ssyncset.done $0x0  }
0x2e: {  	[sflag:s3] =	ssyncadd.s32 $0xFFFFFFE0  }
0x2f: {  	[tilespmem:s7], [sflag:$0x1] =	stream.indirect.gather [hbm4b:s5+s6], $0x2A4, s2, s6, $0xb8;
	[tilespmem:$0x10420] =	vst v63  }
0x30: {  	_ =	swait.ge [sflag:s8], $0x2A40  }
0x31: {  	[sflag:s8] =	ssyncset.done $0x0  }
0x32: {  	[sflag:s8] =	ssyncadd.s32 $0xFFFFD5C0  }
0x33: {  	[hbm4b:s9+s2] =	stream.linear.scatter [tilespmem:s7], [sflag:$0x2], $0x3400, $0x38;
	[tilespmem:$0x10420] =	vst v63  }
0x34: {  	_ =	swait.ge [sflag:s3], $0x3400  }
0x35: {  	[sflag:s3] =	ssyncset.done $0x0  }
0x36: {  	[sflag:s3] =	ssyncadd.s32 $0xFFFFCC00  }
0x37: {  	[tilespmem:s7], [sflag:$0x1] =	stream.indirect.gather [hbm4b:s5+s6], $0x2A4, s6, s6, $0xb8;
	[tilespmem:$0x10420] =	vst v63  }
0x38: {  	_ =	swait.ge [sflag:s8], $0x2A40  }
0x39: {  	[sflag:s8] =	ssyncset.done $0x0  }
0x3a: {  	[sflag:s8] =	ssyncadd.s32 $0xFFFFD5C0  }
0x3b: {  	[hbm4b:s10+s2] =	stream.linear.scatter [tilespmem:s7], [sflag:$0x2], $0x3400, $0x38;
	[tilespmem:$0x10420] =	vst v63  }
0x3c: {  	_ =	swait.ge [sflag:s3], $0x3400  }
0x3d: {  	[sflag:s3] =	ssyncset.done $0x0  }
0x3e: {  	[sflag:s3] =	ssyncadd.s32 $0xFFFFCC00  }
0x3f: {  	[tilespmem:s12], [sflag:$0x1] =	stream.indirect.gather [hbm4b:s11+s6], $0xD00, s2, s6, $0xb8;
	[tilespmem:$0x10420] =	vst v63  }
0x40: {  	_ =	swait.ge [sflag:s8], $0xD000  }
0x41: {  	[sflag:s8] =	ssyncset.done $0x0  }
0x42: {  	[sflag:s8] =	ssyncadd.s32 $0xFFFF3000  }
0x43: {  	[hbm4b:s13+s2] =	stream.linear.scatter [tilespmem:s12], [sflag:$0x2], $0xD000, $0x38;
	[tilespmem:$0x10420] =	vst v63  }
0x44: {  	_ =	swait.ge [sflag:s3], $0xD000  }
0x45: {  	[sflag:s3] =	ssyncset.done $0x0  }
0x46: {  	[sflag:s3] =	ssyncadd.s32 $0xFFFF3000  }
0x47: {  	[tilespmem:s12], [sflag:$0x1] =	stream.indirect.gather [hbm4b:s11+s6], $0xD00, s6, s6, $0xb8;
	[tilespmem:$0x10420] =	vst v63  }
0x48: {  	_ =	swait.ge [sflag:s8], $0xD000  }
.Ltmp1:
0x49: {  	[sflag:s8] =	ssyncset.done $0x0;
	(pc) =	sbr.rel @p0 .LBB2_1-.Ltmp1, $4  }
0x4a: {  	[sflag:s8] =	ssyncadd.s32 $0xFFFF3000  }
0x4b: {  	[hbm4b:s14+s2] =	stream.linear.scatter [tilespmem:s12], [sflag:$0x2], $0xD000, $0x38;
	[tilespmem:$0x10420] =	vst v63  }
0x4c: {  	_ =	swait.ge [sflag:s3], $0xD000  }
0x4d: {  	[sflag:s3] =	ssyncset.done $0x0  }
.LBB2_2:
0x4e: {  	[sflag:s3] =	ssyncadd.s32 $0xFFFF3000  }
0x4f: {  	_ =	sfence.sel $0x180000  }
0x50: {  	[bflag:$0x0] =	sbarrier.arrive $0xFFFF  }
0x51: {  	p0 =	sne.s32 s0, $0x0;
	_ =	strace $0x90000047  }
0x52: {  	s0 =	sadd.s32 @!p0 $0x100000, s1;
	[bflag:$0x2] =	sbarrier.arrive $0xFFFF  }
0x53: {  	[sflag:s0] =	ssyncadd.tile.s32 @!p0 $0x1;
	_ =	shalt  }
.Lfunc_end2:
_tile_overlayer_lowered:
.L_overlay_start_2:
0x54: {  	(tag) =	ssettag $0x2  }
0x55: {  	s0 =	rddreg [dreg:$0x0];
	s2 =	stileid.u32  }
0x56: {  	s1 =	rddreg [dreg:$0x1];
	p0 =	sne.s32 s2, $0x0  }
0x57: {  	s3 =	rddreg [dreg:$0x2];
	[bflag:$0x3] =	sbarrier.arrive $0xFFFF;
	s2 =	simm.s32 @!p0 $0x1C02  }
0x58: {  	[timem:s3], [sflag:s2] =	dma.local @!p0 [hbm:s0], s1  }
0x59: {  	s0 =	simm.s32 @!p0 $0x2  }
0x5a: {  	_ =	swait.ge @!p0 [sflag:s0], s1  }
0x5b: {  	s1 =	ssub.s32 @!p0 $0x0, s1;
	[sflag:s0] =	ssyncset.done @!p0 $0x0  }
0x5c: {  	[sflag:s0] =	ssyncadd.s32 @!p0 s1  }
0x5d: {  	[bflag:$0x3] =	sbarrier.arrive $0xFFFF  }
0x5e: {  	_ =	shalt  }

</sc_bundles>
